<compile_context>
chip_gen: v7x
topology: tpu7x:2x2x1
jax: 0.10.2.dev20260603
libtpu: 0.0.44.dev20260713+nightly
codegen_flags: <defaults>
</compile_context>

<pallas_src>
import functools

import jax
import jax.numpy as jnp
from jax import lax
from jax.experimental import pallas as pl
from jax.experimental.pallas import tpu as pltpu
from jax.experimental.pallas import tpu_sc as plsc

B, L, D, CLS = 4096, 200, 64, 2
NC, NS = 2, 16
NW = NC * NS
BPW = B // NW
CHUNK = 4
NCH = BPW // CHUNK
ROWS = CHUNK * L
NSUB = 8
SUB = ROWS // NSUB
INV_L = 1.0 / L


def _pool_body(x_hbm, table_hbm, out_hbm,
               idx0, idx1, rows0, rows1, stage, sem0, sem1):
    wid = lax.axis_index("s") * NC + lax.axis_index("c")
    base_chunk = wid * NCH
    idx = (idx0, idx1)
    rows = (rows0, rows1)
    sems = (sem0, sem1)

    def issue(j, p):
        pltpu.sync_copy(x_hbm.at[base_chunk + j], idx[p])
        for k in range(NSUB):
            pltpu.async_copy(table_hbm.at[idx[p].at[k]],
                             rows[p].at[pl.ds(k * SUB, SUB)], sems[p])

    def wait(p):
        pltpu.make_async_copy(table_hbm.at[pl.ds(0, ROWS)], rows[p],
                              sems[p]).wait()

    def compute(j, p):
        r = rows[p]
        for e in range(CHUNK):
            base = e * L
            zero = jnp.zeros((16,), jnp.float32)

            def body(l, accs, base=base):
                a0, a1, a2, a3 = accs
                rr = base + 2 * l
                a0 = a0 + r[rr, pl.ds(0, 16)] + r[rr + 1, pl.ds(0, 16)]
                a1 = a1 + r[rr, pl.ds(16, 16)] + r[rr + 1, pl.ds(16, 16)]
                a2 = a2 + r[rr, pl.ds(32, 16)] + r[rr + 1, pl.ds(32, 16)]
                a3 = a3 + r[rr, pl.ds(48, 16)] + r[rr + 1, pl.ds(48, 16)]
                return a0, a1, a2, a3

            a0, a1, a2, a3 = lax.fori_loop(0, L // 2, body, (zero,) * 4)
            stage[e, pl.ds(0, 16)] = a0 * INV_L
            stage[e, pl.ds(16, 16)] = a1 * INV_L
            stage[e, pl.ds(32, 16)] = a2 * INV_L
            stage[e, pl.ds(48, 16)] = a3 * INV_L
        row0 = wid * BPW + j * CHUNK
        pltpu.sync_copy(stage, out_hbm.at[pl.ds(row0, CHUNK)])

    issue(0, 0)

    def outer(i, carry):
        j = 2 * i
        wait(0)
        issue(j + 1, 1)
        compute(j, 0)
        wait(1)

        @pl.when(j + 2 < NCH)
        def _():
            issue(j + 2, 0)

        compute(j + 1, 1)
        return carry

    lax.fori_loop(0, NCH // 2, outer, 0)


_pool = pl.kernel(
    _pool_body,
    mesh=plsc.VectorSubcoreMesh(core_axis_name="c", subcore_axis_name="s"),
    out_type=jax.ShapeDtypeStruct((B, D), jnp.float32),
    compiler_params=pltpu.CompilerParams(use_tc_tiling_on_sc=False),
    scratch_types=[
        pltpu.VMEM((NSUB, SUB), jnp.int32),
        pltpu.VMEM((NSUB, SUB), jnp.int32),
        pltpu.VMEM((ROWS, D), jnp.float32),
        pltpu.VMEM((ROWS, D), jnp.float32),
        pltpu.VMEM((CHUNK, D), jnp.float32),
        pltpu.SemaphoreType.DMA,
        pltpu.SemaphoreType.DMA,
    ],
)


def _head_body(p_ref, w_ref, b_ref, o_ref):
    o_ref[...] = jnp.dot(p_ref[...], w_ref[...],
                         preferred_element_type=jnp.float32) + b_ref[...]


def _head(pooled, W, b):
    return pl.pallas_call(
        _head_body,
        out_shape=jax.ShapeDtypeStruct((B, CLS), jnp.float32),
    )(pooled, W.T, b.reshape(1, CLS))


def kernel(x, table, W, b):
    x32 = x.astype(jnp.int32).reshape(NW * NCH, NSUB, SUB)
    pooled = _pool(x32, table)
    return _head(pooled, W, b)

# --- scband reference (transcript-rebuilt; emitter-appended) ---
"""Pipeline reference for scband-sentiment-clf-68307159875702 (READ-ONLY COPY).

The authoritative reference and input builder live on the scoring server;
editing this copy changes nothing except your own understanding.
"""

import jax, jax.numpy as jnp
import numpy as np

B, L = 4096, 200
VOCAB = 1000000
EMBED_DIM = 64
CLS = 2


def setup_inputs(seed: int = 0) -> dict:
    key = jax.random.key(seed)
    k1, k2, k3 = jax.random.split(key, 3)
    x = jax.random.randint(k1, (B, L), 0, VOCAB, dtype=jnp.int64) if jax.config.jax_enable_x64 else jax.random.randint(k1, (B, L), 0, VOCAB, dtype=jnp.int32)
    table = jax.random.normal(k2, (VOCAB, EMBED_DIM), dtype=jnp.float32) * 0.02
    W = jax.random.normal(k3, (CLS, EMBED_DIM), dtype=jnp.float32) * 0.02
    b = jnp.zeros((CLS,), dtype=jnp.float32)
    return {"x": x, "table": table, "W": W, "b": b}


def reference(x, table, W, b):
    # Embedding lookup: gather rows of the table (SparseCore-friendly gather)
    emb = jnp.take(table, x, axis=0)            # [B, L, EMBED_DIM]
    # Average pooling over the sequence dimension (intended behavior of the
    # pool stage: collapse the token axis to one vector per example so the
    # Linear(64, CLS) head is dimensionally consistent).
    pooled = jnp.mean(emb, axis=1)              # [B, EMBED_DIM]
    # Classification head
    out = pooled @ W.T + b                      # [B, CLS]
    return out

if __name__ == "__main__":
    import jax
    _d = setup_inputs()
    print(jax.jit(kernel)(*tuple(_d.values())))

</pallas_src>

<mosaic_0001>
#map = affine_map<(d0, d1) -> (0, 0, 0)>
#map1 = affine_map<(d0, d1) -> (0, 0)>
module attributes {stable_mosaic.version = 14 : i64} {
  func.func @_pool_body(%arg0: i32, %arg1: i32, %arg2: memref<1024x8x100xi32, #tpu.memory_space<hbm>>, %arg3: memref<1000000x64xf32, #tpu.memory_space<hbm>>, %arg4: memref<4096x64xf32, #tpu.memory_space<hbm>>, %arg5: memref<8x100xi32, #tpu.memory_space<vmem>>, %arg6: memref<8x100xi32, #tpu.memory_space<vmem>>, %arg7: memref<800x64xf32, #tpu.memory_space<vmem>>, %arg8: memref<800x64xf32, #tpu.memory_space<vmem>>, %arg9: memref<4x64xf32, #tpu.memory_space<vmem>>, %arg10: memref<!tpu.dma_semaphore, #tpu.memory_space<semaphore_mem>>, %arg11: memref<!tpu.dma_semaphore, #tpu.memory_space<semaphore_mem>>) attributes {dimension_semantics = [#tpu.dimension_semantics<core_parallel>, #tpu.dimension_semantics<subcore_parallel>], iteration_bounds = array<i64: 2, 16>, scalar_prefetch = 0 : i64, scratch_operands = 7 : i64, tpu.core_type = #tpu.core_type<sc_vector_subcore>, window_params = [{transform_indices = #map}, {transform_indices = #map1}, {transform_indices = #map1}]} {
    %mul3A = arith.constant 2 : i32
    %mul3A_0 = arith.muli %arg1, %mul3A : i32
    %add3A = arith.addi %mul3A_0, %arg0 : i32
    %mul3A_1 = arith.constant 32 : i32
    %mul3A_2 = arith.muli %add3A, %mul3A_1 : i32
    %add3A_3 = arith.constant 0 : i32
    %add3A_4 = arith.addi %mul3A_2, %add3A_3 : i32
    "tpu.region"() ({
      %run_scoped3A = tpu.sem_alloc : memref<!tpu.dma_semaphore, #tpu.memory_space<semaphore_mem>>
      %dma_start3A_89 = arith.constant 0 : i32
      %dma_start3A_90 = arith.constant 0 : i32
      %dma_start3A_91 = tpu.memref_slice %arg2[%add3A_4, %dma_start3A_89, %dma_start3A_90] : memref<1024x8x100xi32, #tpu.memory_space<hbm>> -> memref<1x8x100xi32, #tpu.memory_space<hbm>>
      %dma_start3A_92 = tpu.memref_squeeze %dma_start3A_91 : memref<1x8x100xi32, #tpu.memory_space<hbm>> -> memref<8x100xi32, #tpu.memory_space<hbm>>
      %dma_start3A_93 = arith.constant 0 : i32
      %dma_start3A_94 = arith.constant 0 : i32
      %dma_start3A_95 = tpu.memref_slice %arg2[%add3A_4, %dma_start3A_93, %dma_start3A_94] : memref<1024x8x100xi32, #tpu.memory_space<hbm>> -> memref<1x8x100xi32, #tpu.memory_space<hbm>>
      %dma_start3A_96 = tpu.memref_squeeze %dma_start3A_95 : memref<1x8x100xi32, #tpu.memory_space<hbm>> -> memref<8x100xi32, #tpu.memory_space<hbm>>
      tpu.enqueue_dma source(%dma_start3A_96 : memref<8x100xi32, #tpu.memory_space<hbm>>) target(%arg5 : memref<8x100xi32, #tpu.memory_space<vmem>>) target_semaphore(%run_scoped3A : memref<!tpu.dma_semaphore, #tpu.memory_space<semaphore_mem>>)
      %dma_wait3A = arith.constant 0 : i32
      %dma_wait3A_97 = arith.constant 0 : i32
      %dma_wait3A_98 = tpu.memref_slice %arg2[%add3A_4, %dma_wait3A, %dma_wait3A_97] : memref<1024x8x100xi32, #tpu.memory_space<hbm>> -> memref<1x8x100xi32, #tpu.memory_space<hbm>>
      %dma_wait3A_99 = tpu.memref_squeeze %dma_wait3A_98 : memref<1x8x100xi32, #tpu.memory_space<hbm>> -> memref<8x100xi32, #tpu.memory_space<hbm>>
      %dma_wait3A_100 = arith.constant 0 : i32
      %dma_wait3A_101 = arith.constant 0 : i32
      %dma_wait3A_102 = tpu.memref_slice %arg2[%add3A_4, %dma_wait3A_100, %dma_wait3A_101] : memref<1024x8x100xi32, #tpu.memory_space<hbm>> -> memref<1x8x100xi32, #tpu.memory_space<hbm>>
      %dma_wait3A_103 = tpu.memref_squeeze %dma_wait3A_102 : memref<1x8x100xi32, #tpu.memory_space<hbm>> -> memref<8x100xi32, #tpu.memory_space<hbm>>
      tpu.wait_dma2 semaphore(%run_scoped3A : memref<!tpu.dma_semaphore, #tpu.memory_space<semaphore_mem>>) src(%dma_wait3A_103 : memref<8x100xi32, #tpu.memory_space<hbm>>) dst(%arg5 : memref<8x100xi32, #tpu.memory_space<vmem>>)
      tpu.yield
    }) : () -> ()
    %dma_start3A = arith.constant 0 : i32
    %dma_start3A_5 = arith.constant 0 : i32
    %dma_start3A_6 = arith.constant 0 : i32
    %dma_start3A_7 = tpu.memref_slice %arg7[%dma_start3A_5, %dma_start3A_6] : memref<800x64xf32, #tpu.memory_space<vmem>> -> memref<100x64xf32, #tpu.memory_space<vmem>>
    %dma_start3A_8 = arith.constant 0 : i32
    %dma_start3A_9 = tpu.memref_slice %arg5[%dma_start3A, %dma_start3A_8] : memref<8x100xi32, #tpu.memory_space<vmem>> -> memref<1x100xi32, #tpu.memory_space<vmem>>
    %dma_start3A_10 = tpu.memref_squeeze %dma_start3A_9 : memref<1x100xi32, #tpu.memory_space<vmem>> -> memref<100xi32, #tpu.memory_space<vmem>>
    %dma_start3A_11 = arith.constant 0 : i32
    %dma_start3A_12 = arith.constant 0 : i32
    %dma_start3A_13 = tpu.memref_slice %arg3[%dma_start3A_11, %dma_start3A_12] : memref<1000000x64xf32, #tpu.memory_space<hbm>> -> memref<1000000x64xf32, #tpu.memory_space<hbm>>
    tpu.enqueue_indirect_dma source(%dma_start3A_13 : memref<1000000x64xf32, #tpu.memory_space<hbm>>) target(%dma_start3A_7 : memref<100x64xf32, #tpu.memory_space<vmem>>) offsets(%dma_start3A_10 : memref<100xi32, #tpu.memory_space<vmem>>) semaphore(%arg10 : memref<!tpu.dma_semaphore, #tpu.memory_space<semaphore_mem>>)
    %dma_start3A_14 = arith.constant 1 : i32
    %dma_start3A_15 = arith.constant 100 : i32
    %dma_start3A_16 = arith.constant 0 : i32
    %dma_start3A_17 = tpu.memref_slice %arg7[%dma_start3A_15, %dma_start3A_16] : memref<800x64xf32, #tpu.memory_space<vmem>> -> memref<100x64xf32, #tpu.memory_space<vmem>>
    %dma_start3A_18 = arith.constant 0 : i32
    %dma_start3A_19 = tpu.memref_slice %arg5[%dma_start3A_14, %dma_start3A_18] : memref<8x100xi32, #tpu.memory_space<vmem>> -> memref<1x100xi32, #tpu.memory_space<vmem>>
    %dma_start3A_20 = tpu.memref_squeeze %dma_start3A_19 : memref<1x100xi32, #tpu.memory_space<vmem>> -> memref<100xi32, #tpu.memory_space<vmem>>
    %dma_start3A_21 = arith.constant 0 : i32
    %dma_start3A_22 = arith.constant 0 : i32
    %dma_start3A_23 = tpu.memref_slice %arg3[%dma_start3A_21, %dma_start3A_22] : memref<1000000x64xf32, #tpu.memory_space<hbm>> -> memref<1000000x64xf32, #tpu.memory_space<hbm>>
    tpu.enqueue_indirect_dma source(%dma_start3A_23 : memref<1000000x64xf32, #tpu.memory_space<hbm>>) target(%dma_start3A_17 : memref<100x64xf32, #tpu.memory_space<vmem>>) offsets(%dma_start3A_20 : memref<100xi32, #tpu.memory_space<vmem>>) semaphore(%arg10 : memref<!tpu.dma_semaphore, #tpu.memory_space<semaphore_mem>>)
    %dma_start3A_24 = arith.constant 2 : i32
    %dma_start3A_25 = arith.constant 200 : i32
    %dma_start3A_26 = arith.constant 0 : i32
    %dma_start3A_27 = tpu.memref_slice %arg7[%dma_start3A_25, %dma_start3A_26] : memref<800x64xf32, #tpu.memory_space<vmem>> -> memref<100x64xf32, #tpu.memory_space<vmem>>
    %dma_start3A_28 = arith.constant 0 : i32
    %dma_start3A_29 = tpu.memref_slice %arg5[%dma_start3A_24, %dma_start3A_28] : memref<8x100xi32, #tpu.memory_space<vmem>> -> memref<1x100xi32, #tpu.memory_space<vmem>>
    %dma_start3A_30 = tpu.memref_squeeze %dma_start3A_29 : memref<1x100xi32, #tpu.memory_space<vmem>> -> memref<100xi32, #tpu.memory_space<vmem>>
    %dma_start3A_31 = arith.constant 0 : i32
    %dma_start3A_32 = arith.constant 0 : i32
    %dma_start3A_33 = tpu.memref_slice %arg3[%dma_start3A_31, %dma_start3A_32] : memref<1000000x64xf32, #tpu.memory_space<hbm>> -> memref<1000000x64xf32, #tpu.memory_space<hbm>>
    tpu.enqueue_indirect_dma source(%dma_start3A_33 : memref<1000000x64xf32, #tpu.memory_space<hbm>>) target(%dma_start3A_27 : memref<100x64xf32, #tpu.memory_space<vmem>>) offsets(%dma_start3A_30 : memref<100xi32, #tpu.memory_space<vmem>>) semaphore(%arg10 : memref<!tpu.dma_semaphore, #tpu.memory_space<semaphore_mem>>)
    %dma_start3A_34 = arith.constant 3 : i32
    %dma_start3A_35 = arith.constant 300 : i32
    %dma_start3A_36 = arith.constant 0 : i32
    %dma_start3A_37 = tpu.memref_slice %arg7[%dma_start3A_35, %dma_start3A_36] : memref<800x64xf32, #tpu.memory_space<vmem>> -> memref<100x64xf32, #tpu.memory_space<vmem>>
    %dma_start3A_38 = arith.constant 0 : i32
    %dma_start3A_39 = tpu.memref_slice %arg5[%dma_start3A_34, %dma_start3A_38] : memref<8x100xi32, #tpu.memory_space<vmem>> -> memref<1x100xi32, #tpu.memory_space<vmem>>
    %dma_start3A_40 = tpu.memref_squeeze %dma_start3A_39 : memref<1x100xi32, #tpu.memory_space<vmem>> -> memref<100xi32, #tpu.memory_space<vmem>>
    %dma_start3A_41 = arith.constant 0 : i32
    %dma_start3A_42 = arith.constant 0 : i32
    %dma_start3A_43 = tpu.memref_slice %arg3[%dma_start3A_41, %dma_start3A_42] : memref<1000000x64xf32, #tpu.memory_space<hbm>> -> memref<1000000x64xf32, #tpu.memory_space<hbm>>
    tpu.enqueue_indirect_dma source(%dma_start3A_43 : memref<1000000x64xf32, #tpu.memory_space<hbm>>) target(%dma_start3A_37 : memref<100x64xf32, #tpu.memory_space<vmem>>) offsets(%dma_start3A_40 : memref<100xi32, #tpu.memory_space<vmem>>) semaphore(%arg10 : memref<!tpu.dma_semaphore, #tpu.memory_space<semaphore_mem>>)
    %dma_start3A_44 = arith.constant 4 : i32
    %dma_start3A_45 = arith.constant 400 : i32
    %dma_start3A_46 = arith.constant 0 : i32
    %dma_start3A_47 = tpu.memref_slice %arg7[%dma_start3A_45, %dma_start3A_46] : memref<800x64xf32, #tpu.memory_space<vmem>> -> memref<100x64xf32, #tpu.memory_space<vmem>>
    %dma_start3A_48 = arith.constant 0 : i32
    %dma_start3A_49 = tpu.memref_slice %arg5[%dma_start3A_44, %dma_start3A_48] : memref<8x100xi32, #tpu.memory_space<vmem>> -> memref<1x100xi32, #tpu.memory_space<vmem>>
    %dma_start3A_50 = tpu.memref_squeeze %dma_start3A_49 : memref<1x100xi32, #tpu.memory_space<vmem>> -> memref<100xi32, #tpu.memory_space<vmem>>
    %dma_start3A_51 = arith.constant 0 : i32
    %dma_start3A_52 = arith.constant 0 : i32
    %dma_start3A_53 = tpu.memref_slice %arg3[%dma_start3A_51, %dma_start3A_52] : memref<1000000x64xf32, #tpu.memory_space<hbm>> -> memref<1000000x64xf32, #tpu.memory_space<hbm>>
    tpu.enqueue_indirect_dma source(%dma_start3A_53 : memref<1000000x64xf32, #tpu.memory_space<hbm>>) target(%dma_start3A_47 : memref<100x64xf32, #tpu.memory_space<vmem>>) offsets(%dma_start3A_50 : memref<100xi32, #tpu.memory_space<vmem>>) semaphore(%arg10 : memref<!tpu.dma_semaphore, #tpu.memory_space<semaphore_mem>>)
    %dma_start3A_54 = arith.constant 5 : i32
    %dma_start3A_55 = arith.constant 500 : i32
    %dma_start3A_56 = arith.constant 0 : i32
    %dma_start3A_57 = tpu.memref_slice %arg7[%dma_start3A_55, %dma_start3A_56] : memref<800x64xf32, #tpu.memory_space<vmem>> -> memref<100x64xf32, #tpu.memory_space<vmem>>
    %dma_start3A_58 = arith.constant 0 : i32
    %dma_start3A_59 = tpu.memref_slice %arg5[%dma_start3A_54, %dma_start3A_58] : memref<8x100xi32, #tpu.memory_space<vmem>> -> memref<1x100xi32, #tpu.memory_space<vmem>>
    %dma_start3A_60 = tpu.memref_squeeze %dma_start3A_59 : memref<1x100xi32, #tpu.memory_space<vmem>> -> memref<100xi32, #tpu.memory_space<vmem>>
    %dma_start3A_61 = arith.constant 0 : i32
    %dma_start3A_62 = arith.constant 0 : i32
    %dma_start3A_63 = tpu.memref_slice %arg3[%dma_start3A_61, %dma_start3A_62] : memref<1000000x64xf32, #tpu.memory_space<hbm>> -> memref<1000000x64xf32, #tpu.memory_space<hbm>>
    tpu.enqueue_indirect_dma source(%dma_start3A_63 : memref<1000000x64xf32, #tpu.memory_space<hbm>>) target(%dma_start3A_57 : memref<100x64xf32, #tpu.memory_space<vmem>>) offsets(%dma_start3A_60 : memref<100xi32, #tpu.memory_space<vmem>>) semaphore(%arg10 : memref<!tpu.dma_semaphore, #tpu.memory_space<semaphore_mem>>)
    %dma_start3A_64 = arith.constant 6 : i32
    %dma_start3A_65 = arith.constant 600 : i32
    %dma_start3A_66 = arith.constant 0 : i32
    %dma_start3A_67 = tpu.memref_slice %arg7[%dma_start3A_65, %dma_start3A_66] : memref<800x64xf32, #tpu.memory_space<vmem>> -> memref<100x64xf32, #tpu.memory_space<vmem>>
    %dma_start3A_68 = arith.constant 0 : i32
    %dma_start3A_69 = tpu.memref_slice %arg5[%dma_start3A_64, %dma_start3A_68] : memref<8x100xi32, #tpu.memory_space<vmem>> -> memref<1x100xi32, #tpu.memory_space<vmem>>
    %dma_start3A_70 = tpu.memref_squeeze %dma_start3A_69 : memref<1x100xi32, #tpu.memory_space<vmem>> -> memref<100xi32, #tpu.memory_space<vmem>>
    %dma_start3A_71 = arith.constant 0 : i32
    %dma_start3A_72 = arith.constant 0 : i32
    %dma_start3A_73 = tpu.memref_slice %arg3[%dma_start3A_71, %dma_start3A_72] : memref<1000000x64xf32, #tpu.memory_space<hbm>> -> memref<1000000x64xf32, #tpu.memory_space<hbm>>
    tpu.enqueue_indirect_dma source(%dma_start3A_73 : memref<1000000x64xf32, #tpu.memory_space<hbm>>) target(%dma_start3A_67 : memref<100x64xf32, #tpu.memory_space<vmem>>) offsets(%dma_start3A_70 : memref<100xi32, #tpu.memory_space<vmem>>) semaphore(%arg10 : memref<!tpu.dma_semaphore, #tpu.memory_space<semaphore_mem>>)
    %dma_start3A_74 = arith.constant 7 : i32
    %dma_start3A_75 = arith.constant 700 : i32
    %dma_start3A_76 = arith.constant 0 : i32
    %dma_start3A_77 = tpu.memref_slice %arg7[%dma_start3A_75, %dma_start3A_76] : memref<800x64xf32, #tpu.memory_space<vmem>> -> memref<100x64xf32, #tpu.memory_space<vmem>>
    %dma_start3A_78 = arith.constant 0 : i32
    %dma_start3A_79 = tpu.memref_slice %arg5[%dma_start3A_74, %dma_start3A_78] : memref<8x100xi32, #tpu.memory_space<vmem>> -> memref<1x100xi32, #tpu.memory_space<vmem>>
    %dma_start3A_80 = tpu.memref_squeeze %dma_start3A_79 : memref<1x100xi32, #tpu.memory_space<vmem>> -> memref<100xi32, #tpu.memory_space<vmem>>
    %dma_start3A_81 = arith.constant 0 : i32
    %dma_start3A_82 = arith.constant 0 : i32
    %dma_start3A_83 = tpu.memref_slice %arg3[%dma_start3A_81, %dma_start3A_82] : memref<1000000x64xf32, #tpu.memory_space<hbm>> -> memref<1000000x64xf32, #tpu.memory_space<hbm>>
    tpu.enqueue_indirect_dma source(%dma_start3A_83 : memref<1000000x64xf32, #tpu.memory_space<hbm>>) target(%dma_start3A_77 : memref<100x64xf32, #tpu.memory_space<vmem>>) offsets(%dma_start3A_80 : memref<100xi32, #tpu.memory_space<vmem>>) semaphore(%arg10 : memref<!tpu.dma_semaphore, #tpu.memory_space<semaphore_mem>>)
    %scan3A = arith.constant 0 : i32
    %scan3A_84 = arith.constant 0 : i32
    %scan3A_85 = arith.constant 16 : i32
    %scan3A_86 = arith.addi %scan3A_84, %scan3A_85 : i32
    %scan3A_87 = arith.constant 1 : i32
    scf.for %scan3A_89 = %scan3A_84 to %scan3A_86 step %scan3A_87  : i32 {
      %mul3A_90 = arith.constant 2 : i32
      %mul3A_91 = arith.muli %mul3A_90, %scan3A_89 : i32
      %dma_wait3A = arith.constant 0 : i32
      %dma_wait3A_92 = arith.constant 0 : i32
      %dma_wait3A_93 = tpu.memref_slice %arg3[%dma_wait3A, %dma_wait3A_92] : memref<1000000x64xf32, #tpu.memory_space<hbm>> -> memref<800x64xf32, #tpu.memory_space<hbm>>
      %dma_wait3A_94 = arith.constant 0 : i32
      %dma_wait3A_95 = arith.constant 0 : i32
      %dma_wait3A_96 = tpu.memref_slice %arg3[%dma_wait3A_94, %dma_wait3A_95] : memref<1000000x64xf32, #tpu.memory_space<hbm>> -> memref<800x64xf32, #tpu.memory_space<hbm>>
      tpu.wait_dma2 semaphore(%arg10 : memref<!tpu.dma_semaphore, #tpu.memory_space<semaphore_mem>>) src(%dma_wait3A_96 : memref<800x64xf32, #tpu.memory_space<hbm>>) dst(%arg7 : memref<800x64xf32, #tpu.memory_space<vmem>>)
      %add3A_97 = arith.constant 1 : i32
      %add3A_98 = arith.addi %mul3A_91, %add3A_97 : i32
      %add3A_99 = arith.addi %mul3A_2, %add3A_98 : i32
      "tpu.region"() ({
        %run_scoped3A = tpu.sem_alloc : memref<!tpu.dma_semaphore, #tpu.memory_space<semaphore_mem>>
        %dma_start3A_552 = arith.constant 0 : i32
        %dma_start3A_553 = arith.constant 0 : i32
        %dma_start3A_554 = tpu.memref_slice %arg2[%add3A_99, %dma_start3A_552, %dma_start3A_553] : memref<1024x8x100xi32, #tpu.memory_space<hbm>> -> memref<1x8x100xi32, #tpu.memory_space<hbm>>
        %dma_start3A_555 = tpu.memref_squeeze %dma_start3A_554 : memref<1x8x100xi32, #tpu.memory_space<hbm>> -> memref<8x100xi32, #tpu.memory_space<hbm>>
        %dma_start3A_556 = arith.constant 0 : i32
        %dma_start3A_557 = arith.constant 0 : i32
        %dma_start3A_558 = tpu.memref_slice %arg2[%add3A_99, %dma_start3A_556, %dma_start3A_557] : memref<1024x8x100xi32, #tpu.memory_space<hbm>> -> memref<1x8x100xi32, #tpu.memory_space<hbm>>
        %dma_start3A_559 = tpu.memref_squeeze %dma_start3A_558 : memref<1x8x100xi32, #tpu.memory_space<hbm>> -> memref<8x100xi32, #tpu.memory_space<hbm>>
        tpu.enqueue_dma source(%dma_start3A_559 : memref<8x100xi32, #tpu.memory_space<hbm>>) target(%arg6 : memref<8x100xi32, #tpu.memory_space<vmem>>) target_semaphore(%run_scoped3A : memref<!tpu.dma_semaphore, #tpu.memory_space<semaphore_mem>>)
        %dma_wait3A_560 = arith.constant 0 : i32
        %dma_wait3A_561 = arith.constant 0 : i32
        %dma_wait3A_562 = tpu.memref_slice %arg2[%add3A_99, %dma_wait3A_560, %dma_wait3A_561] : memref<1024x8x100xi32, #tpu.memory_space<hbm>> -> memref<1x8x100xi32, #tpu.memory_space<hbm>>
        %dma_wait3A_563 = tpu.memref_squeeze %dma_wait3A_562 : memref<1x8x100xi32, #tpu.memory_space<hbm>> -> memref<8x100xi32, #tpu.memory_space<hbm>>
        %dma_wait3A_564 = arith.constant 0 : i32
        %dma_wait3A_565 = arith.constant 0 : i32
        %dma_wait3A_566 = tpu.memref_slice %arg2[%add3A_99, %dma_wait3A_564, %dma_wait3A_565] : memref<1024x8x100xi32, #tpu.memory_space<hbm>> -> memref<1x8x100xi32, #tpu.memory_space<hbm>>
        %dma_wait3A_567 = tpu.memref_squeeze %dma_wait3A_566 : memref<1x8x100xi32, #tpu.memory_space<hbm>> -> memref<8x100xi32, #tpu.memory_space<hbm>>
        tpu.wait_dma2 semaphore(%run_scoped3A : memref<!tpu.dma_semaphore, #tpu.memory_space<semaphore_mem>>) src(%dma_wait3A_567 : memref<8x100xi32, #tpu.memory_space<hbm>>) dst(%arg6 : memref<8x100xi32, #tpu.memory_space<vmem>>)
        tpu.yield
      }) : () -> ()
      %dma_start3A_100 = arith.constant 0 : i32
      %dma_start3A_101 = arith.constant 0 : i32
      %dma_start3A_102 = arith.constant 0 : i32
      %dma_start3A_103 = tpu.memref_slice %arg8[%dma_start3A_101, %dma_start3A_102] : memref<800x64xf32, #tpu.memory_space<vmem>> -> memref<100x64xf32, #tpu.memory_space<vmem>>
      %dma_start3A_104 = arith.constant 0 : i32
      %dma_start3A_105 = tpu.memref_slice %arg6[%dma_start3A_100, %dma_start3A_104] : memref<8x100xi32, #tpu.memory_space<vmem>> -> memref<1x100xi32, #tpu.memory_space<vmem>>
      %dma_start3A_106 = tpu.memref_squeeze %dma_start3A_105 : memref<1x100xi32, #tpu.memory_space<vmem>> -> memref<100xi32, #tpu.memory_space<vmem>>
      %dma_start3A_107 = arith.constant 0 : i32
      %dma_start3A_108 = arith.constant 0 : i32
      %dma_start3A_109 = tpu.memref_slice %arg3[%dma_start3A_107, %dma_start3A_108] : memref<1000000x64xf32, #tpu.memory_space<hbm>> -> memref<1000000x64xf32, #tpu.memory_space<hbm>>
      tpu.enqueue_indirect_dma source(%dma_start3A_109 : memref<1000000x64xf32, #tpu.memory_space<hbm>>) target(%dma_start3A_103 : memref<100x64xf32, #tpu.memory_space<vmem>>) offsets(%dma_start3A_106 : memref<100xi32, #tpu.memory_space<vmem>>) semaphore(%arg11 : memref<!tpu.dma_semaphore, #tpu.memory_space<semaphore_mem>>)
      %dma_start3A_110 = arith.constant 1 : i32
      %dma_start3A_111 = arith.constant 100 : i32
      %dma_start3A_112 = arith.constant 0 : i32
      %dma_start3A_113 = tpu.memref_slice %arg8[%dma_start3A_111, %dma_start3A_112] : memref<800x64xf32, #tpu.memory_space<vmem>> -> memref<100x64xf32, #tpu.memory_space<vmem>>
      %dma_start3A_114 = arith.constant 0 : i32
      %dma_start3A_115 = tpu.memref_slice %arg6[%dma_start3A_110, %dma_start3A_114] : memref<8x100xi32, #tpu.memory_space<vmem>> -> memref<1x100xi32, #tpu.memory_space<vmem>>
      %dma_start3A_116 = tpu.memref_squeeze %dma_start3A_115 : memref<1x100xi32, #tpu.memory_space<vmem>> -> memref<100xi32, #tpu.memory_space<vmem>>
      %dma_start3A_117 = arith.constant 0 : i32
      %dma_start3A_118 = arith.constant 0 : i32
      %dma_start3A_119 = tpu.memref_slice %arg3[%dma_start3A_117, %dma_start3A_118] : memref<1000000x64xf32, #tpu.memory_space<hbm>> -> memref<1000000x64xf32, #tpu.memory_space<hbm>>
      tpu.enqueue_indirect_dma source(%dma_start3A_119 : memref<1000000x64xf32, #tpu.memory_space<hbm>>) target(%dma_start3A_113 : memref<100x64xf32, #tpu.memory_space<vmem>>) offsets(%dma_start3A_116 : memref<100xi32, #tpu.memory_space<vmem>>) semaphore(%arg11 : memref<!tpu.dma_semaphore, #tpu.memory_space<semaphore_mem>>)
      %dma_start3A_120 = arith.constant 2 : i32
      %dma_start3A_121 = arith.constant 200 : i32
      %dma_start3A_122 = arith.constant 0 : i32
      %dma_start3A_123 = tpu.memref_slice %arg8[%dma_start3A_121, %dma_start3A_122] : memref<800x64xf32, #tpu.memory_space<vmem>> -> memref<100x64xf32, #tpu.memory_space<vmem>>
      %dma_start3A_124 = arith.constant 0 : i32
      %dma_start3A_125 = tpu.memref_slice %arg6[%dma_start3A_120, %dma_start3A_124] : memref<8x100xi32, #tpu.memory_space<vmem>> -> memref<1x100xi32, #tpu.memory_space<vmem>>
      %dma_start3A_126 = tpu.memref_squeeze %dma_start3A_125 : memref<1x100xi32, #tpu.memory_space<vmem>> -> memref<100xi32, #tpu.memory_space<vmem>>
      %dma_start3A_127 = arith.constant 0 : i32
      %dma_start3A_128 = arith.constant 0 : i32
      %dma_start3A_129 = tpu.memref_slice %arg3[%dma_start3A_127, %dma_start3A_128] : memref<1000000x64xf32, #tpu.memory_space<hbm>> -> memref<1000000x64xf32, #tpu.memory_space<hbm>>
      tpu.enqueue_indirect_dma source(%dma_start3A_129 : memref<1000000x64xf32, #tpu.memory_space<hbm>>) target(%dma_start3A_123 : memref<100x64xf32, #tpu.memory_space<vmem>>) offsets(%dma_start3A_126 : memref<100xi32, #tpu.memory_space<vmem>>) semaphore(%arg11 : memref<!tpu.dma_semaphore, #tpu.memory_space<semaphore_mem>>)
      %dma_start3A_130 = arith.constant 3 : i32
      %dma_start3A_131 = arith.constant 300 : i32
      %dma_start3A_132 = arith.constant 0 : i32
      %dma_start3A_133 = tpu.memref_slice %arg8[%dma_start3A_131, %dma_start3A_132] : memref<800x64xf32, #tpu.memory_space<vmem>> -> memref<100x64xf32, #tpu.memory_space<vmem>>
      %dma_start3A_134 = arith.constant 0 : i32
      %dma_start3A_135 = tpu.memref_slice %arg6[%dma_start3A_130, %dma_start3A_134] : memref<8x100xi32, #tpu.memory_space<vmem>> -> memref<1x100xi32, #tpu.memory_space<vmem>>
      %dma_start3A_136 = tpu.memref_squeeze %dma_start3A_135 : memref<1x100xi32, #tpu.memory_space<vmem>> -> memref<100xi32, #tpu.memory_space<vmem>>
      %dma_start3A_137 = arith.constant 0 : i32
      %dma_start3A_138 = arith.constant 0 : i32
      %dma_start3A_139 = tpu.memref_slice %arg3[%dma_start3A_137, %dma_start3A_138] : memref<1000000x64xf32, #tpu.memory_space<hbm>> -> memref<1000000x64xf32, #tpu.memory_space<hbm>>
      tpu.enqueue_indirect_dma source(%dma_start3A_139 : memref<1000000x64xf32, #tpu.memory_space<hbm>>) target(%dma_start3A_133 : memref<100x64xf32, #tpu.memory_space<vmem>>) offsets(%dma_start3A_136 : memref<100xi32, #tpu.memory_space<vmem>>) semaphore(%arg11 : memref<!tpu.dma_semaphore, #tpu.memory_space<semaphore_mem>>)
      %dma_start3A_140 = arith.constant 4 : i32
      %dma_start3A_141 = arith.constant 400 : i32
      %dma_start3A_142 = arith.constant 0 : i32
      %dma_start3A_143 = tpu.memref_slice %arg8[%dma_start3A_141, %dma_start3A_142] : memref<800x64xf32, #tpu.memory_space<vmem>> -> memref<100x64xf32, #tpu.memory_space<vmem>>
      %dma_start3A_144 = arith.constant 0 : i32
      %dma_start3A_145 = tpu.memref_slice %arg6[%dma_start3A_140, %dma_start3A_144] : memref<8x100xi32, #tpu.memory_space<vmem>> -> memref<1x100xi32, #tpu.memory_space<vmem>>
      %dma_start3A_146 = tpu.memref_squeeze %dma_start3A_145 : memref<1x100xi32, #tpu.memory_space<vmem>> -> memref<100xi32, #tpu.memory_space<vmem>>
      %dma_start3A_147 = arith.constant 0 : i32
      %dma_start3A_148 = arith.constant 0 : i32
      %dma_start3A_149 = tpu.memref_slice %arg3[%dma_start3A_147, %dma_start3A_148] : memref<1000000x64xf32, #tpu.memory_space<hbm>> -> memref<1000000x64xf32, #tpu.memory_space<hbm>>
      tpu.enqueue_indirect_dma source(%dma_start3A_149 : memref<1000000x64xf32, #tpu.memory_space<hbm>>) target(%dma_start3A_143 : memref<100x64xf32, #tpu.memory_space<vmem>>) offsets(%dma_start3A_146 : memref<100xi32, #tpu.memory_space<vmem>>) semaphore(%arg11 : memref<!tpu.dma_semaphore, #tpu.memory_space<semaphore_mem>>)
      %dma_start3A_150 = arith.constant 5 : i32
      %dma_start3A_151 = arith.constant 500 : i32
      %dma_start3A_152 = arith.constant 0 : i32
      %dma_start3A_153 = tpu.memref_slice %arg8[%dma_start3A_151, %dma_start3A_152] : memref<800x64xf32, #tpu.memory_space<vmem>> -> memref<100x64xf32, #tpu.memory_space<vmem>>
      %dma_start3A_154 = arith.constant 0 : i32
      %dma_start3A_155 = tpu.memref_slice %arg6[%dma_start3A_150, %dma_start3A_154] : memref<8x100xi32, #tpu.memory_space<vmem>> -> memref<1x100xi32, #tpu.memory_space<vmem>>
      %dma_start3A_156 = tpu.memref_squeeze %dma_start3A_155 : memref<1x100xi32, #tpu.memory_space<vmem>> -> memref<100xi32, #tpu.memory_space<vmem>>
      %dma_start3A_157 = arith.constant 0 : i32
      %dma_start3A_158 = arith.constant 0 : i32
      %dma_start3A_159 = tpu.memref_slice %arg3[%dma_start3A_157, %dma_start3A_158] : memref<1000000x64xf32, #tpu.memory_space<hbm>> -> memref<1000000x64xf32, #tpu.memory_space<hbm>>
      tpu.enqueue_indirect_dma source(%dma_start3A_159 : memref<1000000x64xf32, #tpu.memory_space<hbm>>) target(%dma_start3A_153 : memref<100x64xf32, #tpu.memory_space<vmem>>) offsets(%dma_start3A_156 : memref<100xi32, #tpu.memory_space<vmem>>) semaphore(%arg11 : memref<!tpu.dma_semaphore, #tpu.memory_space<semaphore_mem>>)
      %dma_start3A_160 = arith.constant 6 : i32
      %dma_start3A_161 = arith.constant 600 : i32
      %dma_start3A_162 = arith.constant 0 : i32
      %dma_start3A_163 = tpu.memref_slice %arg8[%dma_start3A_161, %dma_start3A_162] : memref<800x64xf32, #tpu.memory_space<vmem>> -> memref<100x64xf32, #tpu.memory_space<vmem>>
      %dma_start3A_164 = arith.constant 0 : i32
      %dma_start3A_165 = tpu.memref_slice %arg6[%dma_start3A_160, %dma_start3A_164] : memref<8x100xi32, #tpu.memory_space<vmem>> -> memref<1x100xi32, #tpu.memory_space<vmem>>
      %dma_start3A_166 = tpu.memref_squeeze %dma_start3A_165 : memref<1x100xi32, #tpu.memory_space<vmem>> -> memref<100xi32, #tpu.memory_space<vmem>>
      %dma_start3A_167 = arith.constant 0 : i32
      %dma_start3A_168 = arith.constant 0 : i32
      %dma_start3A_169 = tpu.memref_slice %arg3[%dma_start3A_167, %dma_start3A_168] : memref<1000000x64xf32, #tpu.memory_space<hbm>> -> memref<1000000x64xf32, #tpu.memory_space<hbm>>
      tpu.enqueue_indirect_dma source(%dma_start3A_169 : memref<1000000x64xf32, #tpu.memory_space<hbm>>) target(%dma_start3A_163 : memref<100x64xf32, #tpu.memory_space<vmem>>) offsets(%dma_start3A_166 : memref<100xi32, #tpu.memory_space<vmem>>) semaphore(%arg11 : memref<!tpu.dma_semaphore, #tpu.memory_space<semaphore_mem>>)
      %dma_start3A_170 = arith.constant 7 : i32
      %dma_start3A_171 = arith.constant 700 : i32
      %dma_start3A_172 = arith.constant 0 : i32
      %dma_start3A_173 = tpu.memref_slice %arg8[%dma_start3A_171, %dma_start3A_172] : memref<800x64xf32, #tpu.memory_space<vmem>> -> memref<100x64xf32, #tpu.memory_space<vmem>>
      %dma_start3A_174 = arith.constant 0 : i32
      %dma_start3A_175 = tpu.memref_slice %arg6[%dma_start3A_170, %dma_start3A_174] : memref<8x100xi32, #tpu.memory_space<vmem>> -> memref<1x100xi32, #tpu.memory_space<vmem>>
      %dma_start3A_176 = tpu.memref_squeeze %dma_start3A_175 : memref<1x100xi32, #tpu.memory_space<vmem>> -> memref<100xi32, #tpu.memory_space<vmem>>
      %dma_start3A_177 = arith.constant 0 : i32
      %dma_start3A_178 = arith.constant 0 : i32
      %dma_start3A_179 = tpu.memref_slice %arg3[%dma_start3A_177, %dma_start3A_178] : memref<1000000x64xf32, #tpu.memory_space<hbm>> -> memref<1000000x64xf32, #tpu.memory_space<hbm>>
      tpu.enqueue_indirect_dma source(%dma_start3A_179 : memref<1000000x64xf32, #tpu.memory_space<hbm>>) target(%dma_start3A_173 : memref<100x64xf32, #tpu.memory_space<vmem>>) offsets(%dma_start3A_176 : memref<100xi32, #tpu.memory_space<vmem>>) semaphore(%arg11 : memref<!tpu.dma_semaphore, #tpu.memory_space<semaphore_mem>>)
      %broadcast_in_dim3A = arith.constant 0.000000e+00 : f32
      %broadcast_in_dim3A_180 = vector.broadcast %broadcast_in_dim3A : f32 to vector<16xf32>
      %scan3A_181 = arith.constant 0 : i32
      %scan3A_182 = arith.constant 100 : i32
      %scan3A_183 = arith.addi %scan3A_181, %scan3A_182 : i32
      %scan3A_184 = arith.constant 1 : i32
      %scan3A_185:4 = scf.for %scan3A_552 = %scan3A_181 to %scan3A_183 step %scan3A_184 iter_args(%scan3A_553 = %broadcast_in_dim3A_180, %scan3A_554 = %broadcast_in_dim3A_180, %scan3A_555 = %broadcast_in_dim3A_180, %scan3A_556 = %broadcast_in_dim3A_180) -> (vector<16xf32>, vector<16xf32>, vector<16xf32>, vector<16xf32>)  : i32 {
        %mul3A_557 = arith.constant 2 : i32
        %mul3A_558 = arith.muli %mul3A_557, %scan3A_552 : i32
        %add3A_559 = arith.constant 0 : i32
        %add3A_560 = arith.addi %add3A_559, %mul3A_558 : i32
        %get3A = arith.index_cast %add3A_560 : i32 to index
        %get3A_561 = arith.constant 0 : index
        %get3A_562 = tpu.vector_load %arg7[%get3A, %get3A_561] {strides = array<i32>} : memref<800x64xf32, #tpu.memory_space<vmem>>, vector<1x16xf32>,
        %get3A_563 = vector.shape_cast %get3A_562 : vector<1x16xf32> to vector<16xf32>
        %add3A_564 = arith.addf %scan3A_553, %get3A_563 : vector<16xf32>
        %add3A_565 = arith.constant 1 : i32
        %add3A_566 = arith.addi %add3A_560, %add3A_565 : i32
        %get3A_567 = arith.index_cast %add3A_566 : i32 to index
        %get3A_568 = arith.constant 0 : index
        %get3A_569 = tpu.vector_load %arg7[%get3A_567, %get3A_568] {strides = array<i32>} : memref<800x64xf32, #tpu.memory_space<vmem>>, vector<1x16xf32>,
        %get3A_570 = vector.shape_cast %get3A_569 : vector<1x16xf32> to vector<16xf32>
        %add3A_571 = arith.addf %add3A_564, %get3A_570 : vector<16xf32>
        %get3A_572 = arith.index_cast %add3A_560 : i32 to index
        %get3A_573 = arith.constant 16 : index
        %get3A_574 = tpu.vector_load %arg7[%get3A_572, %get3A_573] {strides = array<i32>} : memref<800x64xf32, #tpu.memory_space<vmem>>, vector<1x16xf32>,
        %get3A_575 = vector.shape_cast %get3A_574 : vector<1x16xf32> to vector<16xf32>
        %add3A_576 = arith.addf %scan3A_554, %get3A_575 : vector<16xf32>
        %add3A_577 = arith.constant 1 : i32
        %add3A_578 = arith.addi %add3A_560, %add3A_577 : i32
        %get3A_579 = arith.index_cast %add3A_578 : i32 to index
        %get3A_580 = arith.constant 16 : index
        %get3A_581 = tpu.vector_load %arg7[%get3A_579, %get3A_580] {strides = array<i32>} : memref<800x64xf32, #tpu.memory_space<vmem>>, vector<1x16xf32>,
        %get3A_582 = vector.shape_cast %get3A_581 : vector<1x16xf32> to vector<16xf32>
        %add3A_583 = arith.addf %add3A_576, %get3A_582 : vector<16xf32>
        %get3A_584 = arith.index_cast %add3A_560 : i32 to index
        %get3A_585 = arith.constant 32 : index
        %get3A_586 = tpu.vector_load %arg7[%get3A_584, %get3A_585] {strides = array<i32>} : memref<800x64xf32, #tpu.memory_space<vmem>>, vector<1x16xf32>,
        %get3A_587 = vector.shape_cast %get3A_586 : vector<1x16xf32> to vector<16xf32>
        %add3A_588 = arith.addf %scan3A_555, %get3A_587 : vector<16xf32>
        %add3A_589 = arith.constant 1 : i32
        %add3A_590 = arith.addi %add3A_560, %add3A_589 : i32
        %get3A_591 = arith.index_cast %add3A_590 : i32 to index
        %get3A_592 = arith.constant 32 : index
        %get3A_593 = tpu.vector_load %arg7[%get3A_591, %get3A_592] {strides = array<i32>} : memref<800x64xf32, #tpu.memory_space<vmem>>, vector<1x16xf32>,
        %get3A_594 = vector.shape_cast %get3A_593 : vector<1x16xf32> to vector<16xf32>
        %add3A_595 = arith.addf %add3A_588, %get3A_594 : vector<16xf32>
        %get3A_596 = arith.index_cast %add3A_560 : i32 to index
        %get3A_597 = arith.constant 48 : index
        %get3A_598 = tpu.vector_load %arg7[%get3A_596, %get3A_597] {strides = array<i32>} : memref<800x64xf32, #tpu.memory_space<vmem>>, vector<1x16xf32>,
        %get3A_599 = vector.shape_cast %get3A_598 : vector<1x16xf32> to vector<16xf32>
        %add3A_600 = arith.addf %scan3A_556, %get3A_599 : vector<16xf32>
        %add3A_601 = arith.constant 1 : i32
        %add3A_602 = arith.addi %add3A_560, %add3A_601 : i32
        %get3A_603 = arith.index_cast %add3A_602 : i32 to index
        %get3A_604 = arith.constant 48 : index
        %get3A_605 = tpu.vector_load %arg7[%get3A_603, %get3A_604] {strides = array<i32>} : memref<800x64xf32, #tpu.memory_space<vmem>>, vector<1x16xf32>,
        %get3A_606 = vector.shape_cast %get3A_605 : vector<1x16xf32> to vector<16xf32>
        %add3A_607 = arith.addf %add3A_600, %get3A_606 : vector<16xf32>
        scf.yield %add3A_571, %add3A_583, %add3A_595, %add3A_607 : vector<16xf32>, vector<16xf32>, vector<16xf32>, vector<16xf32>
      }
      %scan3A_186 = arith.constant 100 : i32
      %mul3A_187 = arith.constant 5.000000e-03 : f32
      %mul3A_188 = vector.broadcast %mul3A_187 : f32 to vector<16xf32>
      %mul3A_189 = arith.mulf %scan3A_185#0, %mul3A_188 : vector<16xf32>
      %swap3A = arith.constant 0 : i32
      %swap3A_190 = arith.index_cast %swap3A : i32 to index
      %swap3A_191 = arith.constant 0 : index
      %swap3A_192 = tpu.vector_load %arg9[%swap3A_190, %swap3A_191] {strides = array<i32>} : memref<4x64xf32, #tpu.memory_space<vmem>>, vector<1x16xf32>,
      %swap3A_193 = vector.shape_cast %swap3A_192 : vector<1x16xf32> to vector<16xf32>
      %swap3A_194 = vector.shape_cast %mul3A_189 : vector<16xf32> to vector<1x16xf32>
      tpu.vector_store %arg9[%swap3A_190, %swap3A_191], %swap3A_194 {strides = array<i32>} : memref<4x64xf32, #tpu.memory_space<vmem>>, vector<1x16xf32>,
      %mul3A_195 = arith.constant 5.000000e-03 : f32
      %mul3A_196 = vector.broadcast %mul3A_195 : f32 to vector<16xf32>
      %mul3A_197 = arith.mulf %scan3A_185#1, %mul3A_196 : vector<16xf32>
      %swap3A_198 = arith.constant 0 : i32
      %swap3A_199 = arith.index_cast %swap3A_198 : i32 to index
      %swap3A_200 = arith.constant 16 : index
      %swap3A_201 = tpu.vector_load %arg9[%swap3A_199, %swap3A_200] {strides = array<i32>} : memref<4x64xf32, #tpu.memory_space<vmem>>, vector<1x16xf32>,
      %swap3A_202 = vector.shape_cast %swap3A_201 : vector<1x16xf32> to vector<16xf32>
      %swap3A_203 = vector.shape_cast %mul3A_197 : vector<16xf32> to vector<1x16xf32>
      tpu.vector_store %arg9[%swap3A_199, %swap3A_200], %swap3A_203 {strides = array<i32>} : memref<4x64xf32, #tpu.memory_space<vmem>>, vector<1x16xf32>,
      %mul3A_204 = arith.constant 5.000000e-03 : f32
      %mul3A_205 = vector.broadcast %mul3A_204 : f32 to vector<16xf32>
      %mul3A_206 = arith.mulf %scan3A_185#2, %mul3A_205 : vector<16xf32>
      %swap3A_207 = arith.constant 0 : i32
      %swap3A_208 = arith.index_cast %swap3A_207 : i32 to index
      %swap3A_209 = arith.constant 32 : index
      %swap3A_210 = tpu.vector_load %arg9[%swap3A_208, %swap3A_209] {strides = array<i32>} : memref<4x64xf32, #tpu.memory_space<vmem>>, vector<1x16xf32>,
      %swap3A_211 = vector.shape_cast %swap3A_210 : vector<1x16xf32> to vector<16xf32>
      %swap3A_212 = vector.shape_cast %mul3A_206 : vector<16xf32> to vector<1x16xf32>
      tpu.vector_store %arg9[%swap3A_208, %swap3A_209], %swap3A_212 {strides = array<i32>} : memref<4x64xf32, #tpu.memory_space<vmem>>, vector<1x16xf32>,
      %mul3A_213 = arith.constant 5.000000e-03 : f32
      %mul3A_214 = vector.broadcast %mul3A_213 : f32 to vector<16xf32>
      %mul3A_215 = arith.mulf %scan3A_185#3, %mul3A_214 : vector<16xf32>
      %swap3A_216 = arith.constant 0 : i32
      %swap3A_217 = arith.index_cast %swap3A_216 : i32 to index
      %swap3A_218 = arith.constant 48 : index
      %swap3A_219 = tpu.vector_load %arg9[%swap3A_217, %swap3A_218] {strides = array<i32>} : memref<4x64xf32, #tpu.memory_space<vmem>>, vector<1x16xf32>,
      %swap3A_220 = vector.shape_cast %swap3A_219 : vector<1x16xf32> to vector<16xf32>
      %swap3A_221 = vector.shape_cast %mul3A_215 : vector<16xf32> to vector<1x16xf32>
      tpu.vector_store %arg9[%swap3A_217, %swap3A_218], %swap3A_221 {strides = array<i32>} : memref<4x64xf32, #tpu.memory_space<vmem>>, vector<1x16xf32>,
      %broadcast_in_dim3A_222 = arith.constant 0.000000e+00 : f32
      %broadcast_in_dim3A_223 = vector.broadcast %broadcast_in_dim3A_222 : f32 to vector<16xf32>
      %scan3A_224 = arith.constant 0 : i32
      %scan3A_225 = arith.constant 100 : i32
      %scan3A_226 = arith.addi %scan3A_224, %scan3A_225 : i32
      %scan3A_227 = arith.constant 1 : i32
      %scan3A_228:4 = scf.for %scan3A_552 = %scan3A_224 to %scan3A_226 step %scan3A_227 iter_args(%scan3A_553 = %broadcast_in_dim3A_223, %scan3A_554 = %broadcast_in_dim3A_223, %scan3A_555 = %broadcast_in_dim3A_223, %scan3A_556 = %broadcast_in_dim3A_223) -> (vector<16xf32>, vector<16xf32>, vector<16xf32>, vector<16xf32>)  : i32 {
        %mul3A_557 = arith.constant 2 : i32
        %mul3A_558 = arith.muli %mul3A_557, %scan3A_552 : i32
        %add3A_559 = arith.constant 200 : i32
        %add3A_560 = arith.addi %add3A_559, %mul3A_558 : i32
        %get3A = arith.index_cast %add3A_560 : i32 to index
        %get3A_561 = arith.constant 0 : index
        %get3A_562 = tpu.vector_load %arg7[%get3A, %get3A_561] {strides = array<i32>} : memref<800x64xf32, #tpu.memory_space<vmem>>, vector<1x16xf32>,
        %get3A_563 = vector.shape_cast %get3A_562 : vector<1x16xf32> to vector<16xf32>
        %add3A_564 = arith.addf %scan3A_553, %get3A_563 : vector<16xf32>
        %add3A_565 = arith.constant 1 : i32
        %add3A_566 = arith.addi %add3A_560, %add3A_565 : i32
        %get3A_567 = arith.index_cast %add3A_566 : i32 to index
        %get3A_568 = arith.constant 0 : index
        %get3A_569 = tpu.vector_load %arg7[%get3A_567, %get3A_568] {strides = array<i32>} : memref<800x64xf32, #tpu.memory_space<vmem>>, vector<1x16xf32>,
        %get3A_570 = vector.shape_cast %get3A_569 : vector<1x16xf32> to vector<16xf32>
        %add3A_571 = arith.addf %add3A_564, %get3A_570 : vector<16xf32>
        %get3A_572 = arith.index_cast %add3A_560 : i32 to index
        %get3A_573 = arith.constant 16 : index
        %get3A_574 = tpu.vector_load %arg7[%get3A_572, %get3A_573] {strides = array<i32>} : memref<800x64xf32, #tpu.memory_space<vmem>>, vector<1x16xf32>,
        %get3A_575 = vector.shape_cast %get3A_574 : vector<1x16xf32> to vector<16xf32>
        %add3A_576 = arith.addf %scan3A_554, %get3A_575 : vector<16xf32>
        %add3A_577 = arith.constant 1 : i32
        %add3A_578 = arith.addi %add3A_560, %add3A_577 : i32
        %get3A_579 = arith.index_cast %add3A_578 : i32 to index
        %get3A_580 = arith.constant 16 : index
        %get3A_581 = tpu.vector_load %arg7[%get3A_579, %get3A_580] {strides = array<i32>} : memref<800x64xf32, #tpu.memory_space<vmem>>, vector<1x16xf32>,
        %get3A_582 = vector.shape_cast %get3A_581 : vector<1x16xf32> to vector<16xf32>
        %add3A_583 = arith.addf %add3A_576, %get3A_582 : vector<16xf32>
        %get3A_584 = arith.index_cast %add3A_560 : i32 to index
        %get3A_585 = arith.constant 32 : index
        %get3A_586 = tpu.vector_load %arg7[%get3A_584, %get3A_585] {strides = array<i32>} : memref<800x64xf32, #tpu.memory_space<vmem>>, vector<1x16xf32>,
        %get3A_587 = vector.shape_cast %get3A_586 : vector<1x16xf32> to vector<16xf32>
        %add3A_588 = arith.addf %scan3A_555, %get3A_587 : vector<16xf32>
        %add3A_589 = arith.constant 1 : i32
        %add3A_590 = arith.addi %add3A_560, %add3A_589 : i32
        %get3A_591 = arith.index_cast %add3A_590 : i32 to index
        %get3A_592 = arith.constant 32 : index
        %get3A_593 = tpu.vector_load %arg7[%get3A_591, %get3A_592] {strides = array<i32>} : memref<800x64xf32, #tpu.memory_space<vmem>>, vector<1x16xf32>,
        %get3A_594 = vector.shape_cast %get3A_593 : vector<1x16xf32> to vector<16xf32>
        %add3A_595 = arith.addf %add3A_588, %get3A_594 : vector<16xf32>
        %get3A_596 = arith.index_cast %add3A_560 : i32 to index
        %get3A_597 = arith.constant 48 : index
        %get3A_598 = tpu.vector_load %arg7[%get3A_596, %get3A_597] {strides = array<i32>} : memref<800x64xf32, #tpu.memory_space<vmem>>, vector<1x16xf32>,
        %get3A_599 = vector.shape_cast %get3A_598 : vector<1x16xf32> to vector<16xf32>
        %add3A_600 = arith.addf %scan3A_556, %get3A_599 : vector<16xf32>
        %add3A_601 = arith.constant 1 : i32
        %add3A_602 = arith.addi %add3A_560, %add3A_601 : i32
        %get3A_603 = arith.index_cast %add3A_602 : i32 to index
        %get3A_604 = arith.constant 48 : index
        %get3A_605 = tpu.vector_load %arg7[%get3A_603, %get3A_604] {strides = array<i32>} : memref<800x64xf32, #tpu.memory_space<vmem>>, vector<1x16xf32>,
        %get3A_606 = vector.shape_cast %get3A_605 : vector<1x16xf32> to vector<16xf32>
        %add3A_607 = arith.addf %add3A_600, %get3A_606 : vector<16xf32>
        scf.yield %add3A_571, %add3A_583, %add3A_595, %add3A_607 : vector<16xf32>, vector<16xf32>, vector<16xf32>, vector<16xf32>
      }
      %scan3A_229 = arith.constant 100 : i32
      %mul3A_230 = arith.constant 5.000000e-03 : f32
      %mul3A_231 = vector.broadcast %mul3A_230 : f32 to vector<16xf32>
      %mul3A_232 = arith.mulf %scan3A_228#0, %mul3A_231 : vector<16xf32>
      %swap3A_233 = arith.constant 1 : i32
      %swap3A_234 = arith.index_cast %swap3A_233 : i32 to index
      %swap3A_235 = arith.constant 0 : index
      %swap3A_236 = tpu.vector_load %arg9[%swap3A_234, %swap3A_235] {strides = array<i32>} : memref<4x64xf32, #tpu.memory_space<vmem>>, vector<1x16xf32>,
      %swap3A_237 = vector.shape_cast %swap3A_236 : vector<1x16xf32> to vector<16xf32>
      %swap3A_238 = vector.shape_cast %mul3A_232 : vector<16xf32> to vector<1x16xf32>
      tpu.vector_store %arg9[%swap3A_234, %swap3A_235], %swap3A_238 {strides = array<i32>} : memref<4x64xf32, #tpu.memory_space<vmem>>, vector<1x16xf32>,
      %mul3A_239 = arith.constant 5.000000e-03 : f32
      %mul3A_240 = vector.broadcast %mul3A_239 : f32 to vector<16xf32>
      %mul3A_241 = arith.mulf %scan3A_228#1, %mul3A_240 : vector<16xf32>
      %swap3A_242 = arith.constant 1 : i32
      %swap3A_243 = arith.index_cast %swap3A_242 : i32 to index
      %swap3A_244 = arith.constant 16 : index
      %swap3A_245 = tpu.vector_load %arg9[%swap3A_243, %swap3A_244] {strides = array<i32>} : memref<4x64xf32, #tpu.memory_space<vmem>>, vector<1x16xf32>,
      %swap3A_246 = vector.shape_cast %swap3A_245 : vector<1x16xf32> to vector<16xf32>
      %swap3A_247 = vector.shape_cast %mul3A_241 : vector<16xf32> to vector<1x16xf32>
      tpu.vector_store %arg9[%swap3A_243, %swap3A_244], %swap3A_247 {strides = array<i32>} : memref<4x64xf32, #tpu.memory_space<vmem>>, vector<1x16xf32>,
      %mul3A_248 = arith.constant 5.000000e-03 : f32
      %mul3A_249 = vector.broadcast %mul3A_248 : f32 to vector<16xf32>
      %mul3A_250 = arith.mulf %scan3A_228#2, %mul3A_249 : vector<16xf32>
      %swap3A_251 = arith.constant 1 : i32
      %swap3A_252 = arith.index_cast %swap3A_251 : i32 to index
      %swap3A_253 = arith.constant 32 : index
      %swap3A_254 = tpu.vector_load %arg9[%swap3A_252, %swap3A_253] {strides = array<i32>} : memref<4x64xf32, #tpu.memory_space<vmem>>, vector<1x16xf32>,
      %swap3A_255 = vector.shape_cast %swap3A_254 : vector<1x16xf32> to vector<16xf32>
      %swap3A_256 = vector.shape_cast %mul3A_250 : vector<16xf32> to vector<1x16xf32>
      tpu.vector_store %arg9[%swap3A_252, %swap3A_253], %swap3A_256 {strides = array<i32>} : memref<4x64xf32, #tpu.memory_space<vmem>>, vector<1x16xf32>,
      %mul3A_257 = arith.constant 5.000000e-03 : f32
      %mul3A_258 = vector.broadcast %mul3A_257 : f32 to vector<16xf32>
      %mul3A_259 = arith.mulf %scan3A_228#3, %mul3A_258 : vector<16xf32>
      %swap3A_260 = arith.constant 1 : i32
      %swap3A_261 = arith.index_cast %swap3A_260 : i32 to index
      %swap3A_262 = arith.constant 48 : index
      %swap3A_263 = tpu.vector_load %arg9[%swap3A_261, %swap3A_262] {strides = array<i32>} : memref<4x64xf32, #tpu.memory_space<vmem>>, vector<1x16xf32>,
      %swap3A_264 = vector.shape_cast %swap3A_263 : vector<1x16xf32> to vector<16xf32>
      %swap3A_265 = vector.shape_cast %mul3A_259 : vector<16xf32> to vector<1x16xf32>
      tpu.vector_store %arg9[%swap3A_261, %swap3A_262], %swap3A_265 {strides = array<i32>} : memref<4x64xf32, #tpu.memory_space<vmem>>, vector<1x16xf32>,
      %broadcast_in_dim3A_266 = arith.constant 0.000000e+00 : f32
      %broadcast_in_dim3A_267 = vector.broadcast %broadcast_in_dim3A_266 : f32 to vector<16xf32>
      %scan3A_268 = arith.constant 0 : i32
      %scan3A_269 = arith.constant 100 : i32
      %scan3A_270 = arith.addi %scan3A_268, %scan3A_269 : i32
      %scan3A_271 = arith.constant 1 : i32
      %scan3A_272:4 = scf.for %scan3A_552 = %scan3A_268 to %scan3A_270 step %scan3A_271 iter_args(%scan3A_553 = %broadcast_in_dim3A_267, %scan3A_554 = %broadcast_in_dim3A_267, %scan3A_555 = %broadcast_in_dim3A_267, %scan3A_556 = %broadcast_in_dim3A_267) -> (vector<16xf32>, vector<16xf32>, vector<16xf32>, vector<16xf32>)  : i32 {
        %mul3A_557 = arith.constant 2 : i32
        %mul3A_558 = arith.muli %mul3A_557, %scan3A_552 : i32
        %add3A_559 = arith.constant 400 : i32
        %add3A_560 = arith.addi %add3A_559, %mul3A_558 : i32
        %get3A = arith.index_cast %add3A_560 : i32 to index
        %get3A_561 = arith.constant 0 : index
        %get3A_562 = tpu.vector_load %arg7[%get3A, %get3A_561] {strides = array<i32>} : memref<800x64xf32, #tpu.memory_space<vmem>>, vector<1x16xf32>,
        %get3A_563 = vector.shape_cast %get3A_562 : vector<1x16xf32> to vector<16xf32>
        %add3A_564 = arith.addf %scan3A_553, %get3A_563 : vector<16xf32>
        %add3A_565 = arith.constant 1 : i32
        %add3A_566 = arith.addi %add3A_560, %add3A_565 : i32
        %get3A_567 = arith.index_cast %add3A_566 : i32 to index
        %get3A_568 = arith.constant 0 : index
        %get3A_569 = tpu.vector_load %arg7[%get3A_567, %get3A_568] {strides = array<i32>} : memref<800x64xf32, #tpu.memory_space<vmem>>, vector<1x16xf32>,
        %get3A_570 = vector.shape_cast %get3A_569 : vector<1x16xf32> to vector<16xf32>
        %add3A_571 = arith.addf %add3A_564, %get3A_570 : vector<16xf32>
        %get3A_572 = arith.index_cast %add3A_560 : i32 to index
        %get3A_573 = arith.constant 16 : index
        %get3A_574 = tpu.vector_load %arg7[%get3A_572, %get3A_573] {strides = array<i32>} : memref<800x64xf32, #tpu.memory_space<vmem>>, vector<1x16xf32>,
        %get3A_575 = vector.shape_cast %get3A_574 : vector<1x16xf32> to vector<16xf32>
        %add3A_576 = arith.addf %scan3A_554, %get3A_575 : vector<16xf32>
        %add3A_577 = arith.constant 1 : i32
        %add3A_578 = arith.addi %add3A_560, %add3A_577 : i32
        %get3A_579 = arith.index_cast %add3A_578 : i32 to index
        %get3A_580 = arith.constant 16 : index
        %get3A_581 = tpu.vector_load %arg7[%get3A_579, %get3A_580] {strides = array<i32>} : memref<800x64xf32, #tpu.memory_space<vmem>>, vector<1x16xf32>,
        %get3A_582 = vector.shape_cast %get3A_581 : vector<1x16xf32> to vector<16xf32>
        %add3A_583 = arith.addf %add3A_576, %get3A_582 : vector<16xf32>
        %get3A_584 = arith.index_cast %add3A_560 : i32 to index
        %get3A_585 = arith.constant 32 : index
        %get3A_586 = tpu.vector_load %arg7[%get3A_584, %get3A_585] {strides = array<i32>} : memref<800x64xf32, #tpu.memory_space<vmem>>, vector<1x16xf32>,
        %get3A_587 = vector.shape_cast %get3A_586 : vector<1x16xf32> to vector<16xf32>
        %add3A_588 = arith.addf %scan3A_555, %get3A_587 : vector<16xf32>
        %add3A_589 = arith.constant 1 : i32
        %add3A_590 = arith.addi %add3A_560, %add3A_589 : i32
        %get3A_591 = arith.index_cast %add3A_590 : i32 to index
        %get3A_592 = arith.constant 32 : index
        %get3A_593 = tpu.vector_load %arg7[%get3A_591, %get3A_592] {strides = array<i32>} : memref<800x64xf32, #tpu.memory_space<vmem>>, vector<1x16xf32>,
        %get3A_594 = vector.shape_cast %get3A_593 : vector<1x16xf32> to vector<16xf32>
        %add3A_595 = arith.addf %add3A_588, %get3A_594 : vector<16xf32>
        %get3A_596 = arith.index_cast %add3A_560 : i32 to index
        %get3A_597 = arith.constant 48 : index
        %get3A_598 = tpu.vector_load %arg7[%get3A_596, %get3A_597] {strides = array<i32>} : memref<800x64xf32, #tpu.memory_space<vmem>>, vector<1x16xf32>,
        %get3A_599 = vector.shape_cast %get3A_598 : vector<1x16xf32> to vector<16xf32>
        %add3A_600 = arith.addf %scan3A_556, %get3A_599 : vector<16xf32>
        %add3A_601 = arith.constant 1 : i32
        %add3A_602 = arith.addi %add3A_560, %add3A_601 : i32
        %get3A_603 = arith.index_cast %add3A_602 : i32 to index
        %get3A_604 = arith.constant 48 : index
        %get3A_605 = tpu.vector_load %arg7[%get3A_603, %get3A_604] {strides = array<i32>} : memref<800x64xf32, #tpu.memory_space<vmem>>, vector<1x16xf32>,
        %get3A_606 = vector.shape_cast %get3A_605 : vector<1x16xf32> to vector<16xf32>
        %add3A_607 = arith.addf %add3A_600, %get3A_606 : vector<16xf32>
        scf.yield %add3A_571, %add3A_583, %add3A_595, %add3A_607 : vector<16xf32>, vector<16xf32>, vector<16xf32>, vector<16xf32>
      }
      %scan3A_273 = arith.constant 100 : i32
      %mul3A_274 = arith.constant 5.000000e-03 : f32
      %mul3A_275 = vector.broadcast %mul3A_274 : f32 to vector<16xf32>
      %mul3A_276 = arith.mulf %scan3A_272#0, %mul3A_275 : vector<16xf32>
      %swap3A_277 = arith.constant 2 : i32
      %swap3A_278 = arith.index_cast %swap3A_277 : i32 to index
      %swap3A_279 = arith.constant 0 : index
      %swap3A_280 = tpu.vector_load %arg9[%swap3A_278, %swap3A_279] {strides = array<i32>} : memref<4x64xf32, #tpu.memory_space<vmem>>, vector<1x16xf32>,
      %swap3A_281 = vector.shape_cast %swap3A_280 : vector<1x16xf32> to vector<16xf32>
      %swap3A_282 = vector.shape_cast %mul3A_276 : vector<16xf32> to vector<1x16xf32>
      tpu.vector_store %arg9[%swap3A_278, %swap3A_279], %swap3A_282 {strides = array<i32>} : memref<4x64xf32, #tpu.memory_space<vmem>>, vector<1x16xf32>,
      %mul3A_283 = arith.constant 5.000000e-03 : f32
      %mul3A_284 = vector.broadcast %mul3A_283 : f32 to vector<16xf32>
      %mul3A_285 = arith.mulf %scan3A_272#1, %mul3A_284 : vector<16xf32>
      %swap3A_286 = arith.constant 2 : i32
      %swap3A_287 = arith.index_cast %swap3A_286 : i32 to index
      %swap3A_288 = arith.constant 16 : index
      %swap3A_289 = tpu.vector_load %arg9[%swap3A_287, %swap3A_288] {strides = array<i32>} : memref<4x64xf32, #tpu.memory_space<vmem>>, vector<1x16xf32>,
      %swap3A_290 = vector.shape_cast %swap3A_289 : vector<1x16xf32> to vector<16xf32>
      %swap3A_291 = vector.shape_cast %mul3A_285 : vector<16xf32> to vector<1x16xf32>
      tpu.vector_store %arg9[%swap3A_287, %swap3A_288], %swap3A_291 {strides = array<i32>} : memref<4x64xf32, #tpu.memory_space<vmem>>, vector<1x16xf32>,
      %mul3A_292 = arith.constant 5.000000e-03 : f32
      %mul3A_293 = vector.broadcast %mul3A_292 : f32 to vector<16xf32>
      %mul3A_294 = arith.mulf %scan3A_272#2, %mul3A_293 : vector<16xf32>
      %swap3A_295 = arith.constant 2 : i32
      %swap3A_296 = arith.index_cast %swap3A_295 : i32 to index
      %swap3A_297 = arith.constant 32 : index
      %swap3A_298 = tpu.vector_load %arg9[%swap3A_296, %swap3A_297] {strides = array<i32>} : memref<4x64xf32, #tpu.memory_space<vmem>>, vector<1x16xf32>,
      %swap3A_299 = vector.shape_cast %swap3A_298 : vector<1x16xf32> to vector<16xf32>
      %swap3A_300 = vector.shape_cast %mul3A_294 : vector<16xf32> to vector<1x16xf32>
      tpu.vector_store %arg9[%swap3A_296, %swap3A_297], %swap3A_300 {strides = array<i32>} : memref<4x64xf32, #tpu.memory_space<vmem>>, vector<1x16xf32>,
      %mul3A_301 = arith.constant 5.000000e-03 : f32
      %mul3A_302 = vector.broadcast %mul3A_301 : f32 to vector<16xf32>
      %mul3A_303 = arith.mulf %scan3A_272#3, %mul3A_302 : vector<16xf32>
      %swap3A_304 = arith.constant 2 : i32
      %swap3A_305 = arith.index_cast %swap3A_304 : i32 to index
      %swap3A_306 = arith.constant 48 : index
      %swap3A_307 = tpu.vector_load %arg9[%swap3A_305, %swap3A_306] {strides = array<i32>} : memref<4x64xf32, #tpu.memory_space<vmem>>, vector<1x16xf32>,
      %swap3A_308 = vector.shape_cast %swap3A_307 : vector<1x16xf32> to vector<16xf32>
      %swap3A_309 = vector.shape_cast %mul3A_303 : vector<16xf32> to vector<1x16xf32>
      tpu.vector_store %arg9[%swap3A_305, %swap3A_306], %swap3A_309 {strides = array<i32>} : memref<4x64xf32, #tpu.memory_space<vmem>>, vector<1x16xf32>,
      %broadcast_in_dim3A_310 = arith.constant 0.000000e+00 : f32
      %broadcast_in_dim3A_311 = vector.broadcast %broadcast_in_dim3A_310 : f32 to vector<16xf32>
      %scan3A_312 = arith.constant 0 : i32
      %scan3A_313 = arith.constant 100 : i32
      %scan3A_314 = arith.addi %scan3A_312, %scan3A_313 : i32
      %scan3A_315 = arith.constant 1 : i32
      %scan3A_316:4 = scf.for %scan3A_552 = %scan3A_312 to %scan3A_314 step %scan3A_315 iter_args(%scan3A_553 = %broadcast_in_dim3A_311, %scan3A_554 = %broadcast_in_dim3A_311, %scan3A_555 = %broadcast_in_dim3A_311, %scan3A_556 = %broadcast_in_dim3A_311) -> (vector<16xf32>, vector<16xf32>, vector<16xf32>, vector<16xf32>)  : i32 {
        %mul3A_557 = arith.constant 2 : i32
        %mul3A_558 = arith.muli %mul3A_557, %scan3A_552 : i32
        %add3A_559 = arith.constant 600 : i32
        %add3A_560 = arith.addi %add3A_559, %mul3A_558 : i32
        %get3A = arith.index_cast %add3A_560 : i32 to index
        %get3A_561 = arith.constant 0 : index
        %get3A_562 = tpu.vector_load %arg7[%get3A, %get3A_561] {strides = array<i32>} : memref<800x64xf32, #tpu.memory_space<vmem>>, vector<1x16xf32>,
        %get3A_563 = vector.shape_cast %get3A_562 : vector<1x16xf32> to vector<16xf32>
        %add3A_564 = arith.addf %scan3A_553, %get3A_563 : vector<16xf32>
        %add3A_565 = arith.constant 1 : i32
        %add3A_566 = arith.addi %add3A_560, %add3A_565 : i32
        %get3A_567 = arith.index_cast %add3A_566 : i32 to index
        %get3A_568 = arith.constant 0 : index
        %get3A_569 = tpu.vector_load %arg7[%get3A_567, %get3A_568] {strides = array<i32>} : memref<800x64xf32, #tpu.memory_space<vmem>>, vector<1x16xf32>,
        %get3A_570 = vector.shape_cast %get3A_569 : vector<1x16xf32> to vector<16xf32>
        %add3A_571 = arith.addf %add3A_564, %get3A_570 : vector<16xf32>
        %get3A_572 = arith.index_cast %add3A_560 : i32 to index
        %get3A_573 = arith.constant 16 : index
        %get3A_574 = tpu.vector_load %arg7[%get3A_572, %get3A_573] {strides = array<i32>} : memref<800x64xf32, #tpu.memory_space<vmem>>, vector<1x16xf32>,
        %get3A_575 = vector.shape_cast %get3A_574 : vector<1x16xf32> to vector<16xf32>
        %add3A_576 = arith.addf %scan3A_554, %get3A_575 : vector<16xf32>
        %add3A_577 = arith.constant 1 : i32
        %add3A_578 = arith.addi %add3A_560, %add3A_577 : i32
        %get3A_579 = arith.index_cast %add3A_578 : i32 to index
        %get3A_580 = arith.constant 16 : index
        %get3A_581 = tpu.vector_load %arg7[%get3A_579, %get3A_580] {strides = array<i32>} : memref<800x64xf32, #tpu.memory_space<vmem>>, vector<1x16xf32>,
        %get3A_582 = vector.shape_cast %get3A_581 : vector<1x16xf32> to vector<16xf32>
        %add3A_583 = arith.addf %add3A_576, %get3A_582 : vector<16xf32>
        %get3A_584 = arith.index_cast %add3A_560 : i32 to index
        %get3A_585 = arith.constant 32 : index
        %get3A_586 = tpu.vector_load %arg7[%get3A_584, %get3A_585] {strides = array<i32>} : memref<800x64xf32, #tpu.memory_space<vmem>>, vector<1x16xf32>,
        %get3A_587 = vector.shape_cast %get3A_586 : vector<1x16xf32> to vector<16xf32>
        %add3A_588 = arith.addf %scan3A_555, %get3A_587 : vector<16xf32>
        %add3A_589 = arith.constant 1 : i32
        %add3A_590 = arith.addi %add3A_560, %add3A_589 : i32
        %get3A_591 = arith.index_cast %add3A_590 : i32 to index
        %get3A_592 = arith.constant 32 : index
        %get3A_593 = tpu.vector_load %arg7[%get3A_591, %get3A_592] {strides = array<i32>} : memref<800x64xf32, #tpu.memory_space<vmem>>, vector<1x16xf32>,
        %get3A_594 = vector.shape_cast %get3A_593 : vector<1x16xf32> to vector<16xf32>
        %add3A_595 = arith.addf %add3A_588, %get3A_594 : vector<16xf32>
        %get3A_596 = arith.index_cast %add3A_560 : i32 to index
        %get3A_597 = arith.constant 48 : index
        %get3A_598 = tpu.vector_load %arg7[%get3A_596, %get3A_597] {strides = array<i32>} : memref<800x64xf32, #tpu.memory_space<vmem>>, vector<1x16xf32>,
        %get3A_599 = vector.shape_cast %get3A_598 : vector<1x16xf32> to vector<16xf32>
        %add3A_600 = arith.addf %scan3A_556, %get3A_599 : vector<16xf32>
        %add3A_601 = arith.constant 1 : i32
        %add3A_602 = arith.addi %add3A_560, %add3A_601 : i32
        %get3A_603 = arith.index_cast %add3A_602 : i32 to index
        %get3A_604 = arith.constant 48 : index
        %get3A_605 = tpu.vector_load %arg7[%get3A_603, %get3A_604] {strides = array<i32>} : memref<800x64xf32, #tpu.memory_space<vmem>>, vector<1x16xf32>,
        %get3A_606 = vector.shape_cast %get3A_605 : vector<1x16xf32> to vector<16xf32>
        %add3A_607 = arith.addf %add3A_600, %get3A_606 : vector<16xf32>
        scf.yield %add3A_571, %add3A_583, %add3A_595, %add3A_607 : vector<16xf32>, vector<16xf32>, vector<16xf32>, vector<16xf32>
      }
      %scan3A_317 = arith.constant 100 : i32
      %mul3A_318 = arith.constant 5.000000e-03 : f32
      %mul3A_319 = vector.broadcast %mul3A_318 : f32 to vector<16xf32>
      %mul3A_320 = arith.mulf %scan3A_316#0, %mul3A_319 : vector<16xf32>
      %swap3A_321 = arith.constant 3 : i32
      %swap3A_322 = arith.index_cast %swap3A_321 : i32 to index
      %swap3A_323 = arith.constant 0 : index
      %swap3A_324 = tpu.vector_load %arg9[%swap3A_322, %swap3A_323] {strides = array<i32>} : memref<4x64xf32, #tpu.memory_space<vmem>>, vector<1x16xf32>,
      %swap3A_325 = vector.shape_cast %swap3A_324 : vector<1x16xf32> to vector<16xf32>
      %swap3A_326 = vector.shape_cast %mul3A_320 : vector<16xf32> to vector<1x16xf32>
      tpu.vector_store %arg9[%swap3A_322, %swap3A_323], %swap3A_326 {strides = array<i32>} : memref<4x64xf32, #tpu.memory_space<vmem>>, vector<1x16xf32>,
      %mul3A_327 = arith.constant 5.000000e-03 : f32
      %mul3A_328 = vector.broadcast %mul3A_327 : f32 to vector<16xf32>
      %mul3A_329 = arith.mulf %scan3A_316#1, %mul3A_328 : vector<16xf32>
      %swap3A_330 = arith.constant 3 : i32
      %swap3A_331 = arith.index_cast %swap3A_330 : i32 to index
      %swap3A_332 = arith.constant 16 : index
      %swap3A_333 = tpu.vector_load %arg9[%swap3A_331, %swap3A_332] {strides = array<i32>} : memref<4x64xf32, #tpu.memory_space<vmem>>, vector<1x16xf32>,
      %swap3A_334 = vector.shape_cast %swap3A_333 : vector<1x16xf32> to vector<16xf32>
      %swap3A_335 = vector.shape_cast %mul3A_329 : vector<16xf32> to vector<1x16xf32>
      tpu.vector_store %arg9[%swap3A_331, %swap3A_332], %swap3A_335 {strides = array<i32>} : memref<4x64xf32, #tpu.memory_space<vmem>>, vector<1x16xf32>,
      %mul3A_336 = arith.constant 5.000000e-03 : f32
      %mul3A_337 = vector.broadcast %mul3A_336 : f32 to vector<16xf32>
      %mul3A_338 = arith.mulf %scan3A_316#2, %mul3A_337 : vector<16xf32>
      %swap3A_339 = arith.constant 3 : i32
      %swap3A_340 = arith.index_cast %swap3A_339 : i32 to index
      %swap3A_341 = arith.constant 32 : index
      %swap3A_342 = tpu.vector_load %arg9[%swap3A_340, %swap3A_341] {strides = array<i32>} : memref<4x64xf32, #tpu.memory_space<vmem>>, vector<1x16xf32>,
      %swap3A_343 = vector.shape_cast %swap3A_342 : vector<1x16xf32> to vector<16xf32>
      %swap3A_344 = vector.shape_cast %mul3A_338 : vector<16xf32> to vector<1x16xf32>
      tpu.vector_store %arg9[%swap3A_340, %swap3A_341], %swap3A_344 {strides = array<i32>} : memref<4x64xf32, #tpu.memory_space<vmem>>, vector<1x16xf32>,
      %mul3A_345 = arith.constant 5.000000e-03 : f32
      %mul3A_346 = vector.broadcast %mul3A_345 : f32 to vector<16xf32>
      %mul3A_347 = arith.mulf %scan3A_316#3, %mul3A_346 : vector<16xf32>
      %swap3A_348 = arith.constant 3 : i32
      %swap3A_349 = arith.index_cast %swap3A_348 : i32 to index
      %swap3A_350 = arith.constant 48 : index
      %swap3A_351 = tpu.vector_load %arg9[%swap3A_349, %swap3A_350] {strides = array<i32>} : memref<4x64xf32, #tpu.memory_space<vmem>>, vector<1x16xf32>,
      %swap3A_352 = vector.shape_cast %swap3A_351 : vector<1x16xf32> to vector<16xf32>
      %swap3A_353 = vector.shape_cast %mul3A_347 : vector<16xf32> to vector<1x16xf32>
      tpu.vector_store %arg9[%swap3A_349, %swap3A_350], %swap3A_353 {strides = array<i32>} : memref<4x64xf32, #tpu.memory_space<vmem>>, vector<1x16xf32>,
      %mul3A_354 = arith.constant 128 : i32
      %mul3A_355 = arith.muli %add3A, %mul3A_354 : i32
      %mul3A_356 = arith.constant 4 : i32
      %mul3A_357 = arith.muli %mul3A_91, %mul3A_356 : i32
      %add3A_358 = arith.addi %mul3A_355, %mul3A_357 : i32
      "tpu.region"() ({
        %run_scoped3A = tpu.sem_alloc : memref<!tpu.dma_semaphore, #tpu.memory_space<semaphore_mem>>
        %dma_start3A_552 = arith.constant 0 : i32
        %dma_start3A_553 = tpu.memref_slice %arg4[%add3A_358, %dma_start3A_552] : memref<4096x64xf32, #tpu.memory_space<hbm>> -> memref<4x64xf32, #tpu.memory_space<hbm>>
        %dma_start3A_554 = arith.constant 0 : i32
        %dma_start3A_555 = tpu.memref_slice %arg4[%add3A_358, %dma_start3A_554] : memref<4096x64xf32, #tpu.memory_space<hbm>> -> memref<4x64xf32, #tpu.memory_space<hbm>>
        tpu.enqueue_dma source(%arg9 : memref<4x64xf32, #tpu.memory_space<vmem>>) target(%dma_start3A_555 : memref<4x64xf32, #tpu.memory_space<hbm>>) target_semaphore(%run_scoped3A : memref<!tpu.dma_semaphore, #tpu.memory_space<semaphore_mem>>)
        %dma_wait3A_556 = arith.constant 0 : i32
        %dma_wait3A_557 = tpu.memref_slice %arg4[%add3A_358, %dma_wait3A_556] : memref<4096x64xf32, #tpu.memory_space<hbm>> -> memref<4x64xf32, #tpu.memory_space<hbm>>
        %dma_wait3A_558 = arith.constant 0 : i32
        %dma_wait3A_559 = tpu.memref_slice %arg4[%add3A_358, %dma_wait3A_558] : memref<4096x64xf32, #tpu.memory_space<hbm>> -> memref<4x64xf32, #tpu.memory_space<hbm>>
        tpu.wait_dma2 semaphore(%run_scoped3A : memref<!tpu.dma_semaphore, #tpu.memory_space<semaphore_mem>>) src(%arg9 : memref<4x64xf32, #tpu.memory_space<vmem>>) dst(%dma_wait3A_559 : memref<4x64xf32, #tpu.memory_space<hbm>>)
        tpu.yield
      }) : () -> ()
      %dma_wait3A_359 = arith.constant 0 : i32
      %dma_wait3A_360 = arith.constant 0 : i32
      %dma_wait3A_361 = tpu.memref_slice %arg3[%dma_wait3A_359, %dma_wait3A_360] : memref<1000000x64xf32, #tpu.memory_space<hbm>> -> memref<800x64xf32, #tpu.memory_space<hbm>>
      %dma_wait3A_362 = arith.constant 0 : i32
      %dma_wait3A_363 = arith.constant 0 : i32
      %dma_wait3A_364 = tpu.memref_slice %arg3[%dma_wait3A_362, %dma_wait3A_363] : memref<1000000x64xf32, #tpu.memory_space<hbm>> -> memref<800x64xf32, #tpu.memory_space<hbm>>
      tpu.wait_dma2 semaphore(%arg11 : memref<!tpu.dma_semaphore, #tpu.memory_space<semaphore_mem>>) src(%dma_wait3A_364 : memref<800x64xf32, #tpu.memory_space<hbm>>) dst(%arg8 : memref<800x64xf32, #tpu.memory_space<vmem>>)
      %add3A_365 = arith.constant 2 : i32
      %add3A_366 = arith.addi %mul3A_91, %add3A_365 : i32
      %lt3A = arith.constant 32 : i32
      %lt3A_367 = arith.cmpi slt, %add3A_366, %lt3A : i32
      %convert_element_type3A = arith.extui %lt3A_367 : i1 to i32
      %cond3A = arith.constant 0 : i32
      %cond3A_368 = arith.cmpi ne, %convert_element_type3A, %cond3A : i32
      scf.if %cond3A_368 {
        %add3A_552 = arith.constant 2 : i32
        %add3A_553 = arith.addi %mul3A_91, %add3A_552 : i32
        %add3A_554 = arith.addi %mul3A_2, %add3A_553 : i32
        "tpu.region"() ({
          %run_scoped3A = tpu.sem_alloc : memref<!tpu.dma_semaphore, #tpu.memory_space<semaphore_mem>>
          %dma_start3A_635 = arith.constant 0 : i32
          %dma_start3A_636 = arith.constant 0 : i32
          %dma_start3A_637 = tpu.memref_slice %arg2[%add3A_554, %dma_start3A_635, %dma_start3A_636] : memref<1024x8x100xi32, #tpu.memory_space<hbm>> -> memref<1x8x100xi32, #tpu.memory_space<hbm>>
          %dma_start3A_638 = tpu.memref_squeeze %dma_start3A_637 : memref<1x8x100xi32, #tpu.memory_space<hbm>> -> memref<8x100xi32, #tpu.memory_space<hbm>>
          %dma_start3A_639 = arith.constant 0 : i32
          %dma_start3A_640 = arith.constant 0 : i32
          %dma_start3A_641 = tpu.memref_slice %arg2[%add3A_554, %dma_start3A_639, %dma_start3A_640] : memref<1024x8x100xi32, #tpu.memory_space<hbm>> -> memref<1x8x100xi32, #tpu.memory_space<hbm>>
          %dma_start3A_642 = tpu.memref_squeeze %dma_start3A_641 : memref<1x8x100xi32, #tpu.memory_space<hbm>> -> memref<8x100xi32, #tpu.memory_space<hbm>>
          tpu.enqueue_dma source(%dma_start3A_642 : memref<8x100xi32, #tpu.memory_space<hbm>>) target(%arg5 : memref<8x100xi32, #tpu.memory_space<vmem>>) target_semaphore(%run_scoped3A : memref<!tpu.dma_semaphore, #tpu.memory_space<semaphore_mem>>)
          %dma_wait3A_643 = arith.constant 0 : i32
          %dma_wait3A_644 = arith.constant 0 : i32
          %dma_wait3A_645 = tpu.memref_slice %arg2[%add3A_554, %dma_wait3A_643, %dma_wait3A_644] : memref<1024x8x100xi32, #tpu.memory_space<hbm>> -> memref<1x8x100xi32, #tpu.memory_space<hbm>>
          %dma_wait3A_646 = tpu.memref_squeeze %dma_wait3A_645 : memref<1x8x100xi32, #tpu.memory_space<hbm>> -> memref<8x100xi32, #tpu.memory_space<hbm>>
          %dma_wait3A_647 = arith.constant 0 : i32
          %dma_wait3A_648 = arith.constant 0 : i32
          %dma_wait3A_649 = tpu.memref_slice %arg2[%add3A_554, %dma_wait3A_647, %dma_wait3A_648] : memref<1024x8x100xi32, #tpu.memory_space<hbm>> -> memref<1x8x100xi32, #tpu.memory_space<hbm>>
          %dma_wait3A_650 = tpu.memref_squeeze %dma_wait3A_649 : memref<1x8x100xi32, #tpu.memory_space<hbm>> -> memref<8x100xi32, #tpu.memory_space<hbm>>
          tpu.wait_dma2 semaphore(%run_scoped3A : memref<!tpu.dma_semaphore, #tpu.memory_space<semaphore_mem>>) src(%dma_wait3A_650 : memref<8x100xi32, #tpu.memory_space<hbm>>) dst(%arg5 : memref<8x100xi32, #tpu.memory_space<vmem>>)
          tpu.yield
        }) : () -> ()
        %dma_start3A_555 = arith.constant 0 : i32
        %dma_start3A_556 = arith.constant 0 : i32
        %dma_start3A_557 = arith.constant 0 : i32
        %dma_start3A_558 = tpu.memref_slice %arg7[%dma_start3A_556, %dma_start3A_557] : memref<800x64xf32, #tpu.memory_space<vmem>> -> memref<100x64xf32, #tpu.memory_space<vmem>>
        %dma_start3A_559 = arith.constant 0 : i32
        %dma_start3A_560 = tpu.memref_slice %arg5[%dma_start3A_555, %dma_start3A_559] : memref<8x100xi32, #tpu.memory_space<vmem>> -> memref<1x100xi32, #tpu.memory_space<vmem>>
        %dma_start3A_561 = tpu.memref_squeeze %dma_start3A_560 : memref<1x100xi32, #tpu.memory_space<vmem>> -> memref<100xi32, #tpu.memory_space<vmem>>
        %dma_start3A_562 = arith.constant 0 : i32
        %dma_start3A_563 = arith.constant 0 : i32
        %dma_start3A_564 = tpu.memref_slice %arg3[%dma_start3A_562, %dma_start3A_563] : memref<1000000x64xf32, #tpu.memory_space<hbm>> -> memref<1000000x64xf32, #tpu.memory_space<hbm>>
        tpu.enqueue_indirect_dma source(%dma_start3A_564 : memref<1000000x64xf32, #tpu.memory_space<hbm>>) target(%dma_start3A_558 : memref<100x64xf32, #tpu.memory_space<vmem>>) offsets(%dma_start3A_561 : memref<100xi32, #tpu.memory_space<vmem>>) semaphore(%arg10 : memref<!tpu.dma_semaphore, #tpu.memory_space<semaphore_mem>>)
        %dma_start3A_565 = arith.constant 1 : i32
        %dma_start3A_566 = arith.constant 100 : i32
        %dma_start3A_567 = arith.constant 0 : i32
        %dma_start3A_568 = tpu.memref_slice %arg7[%dma_start3A_566, %dma_start3A_567] : memref<800x64xf32, #tpu.memory_space<vmem>> -> memref<100x64xf32, #tpu.memory_space<vmem>>
        %dma_start3A_569 = arith.constant 0 : i32
        %dma_start3A_570 = tpu.memref_slice %arg5[%dma_start3A_565, %dma_start3A_569] : memref<8x100xi32, #tpu.memory_space<vmem>> -> memref<1x100xi32, #tpu.memory_space<vmem>>
        %dma_start3A_571 = tpu.memref_squeeze %dma_start3A_570 : memref<1x100xi32, #tpu.memory_space<vmem>> -> memref<100xi32, #tpu.memory_space<vmem>>
        %dma_start3A_572 = arith.constant 0 : i32
        %dma_start3A_573 = arith.constant 0 : i32
        %dma_start3A_574 = tpu.memref_slice %arg3[%dma_start3A_572, %dma_start3A_573] : memref<1000000x64xf32, #tpu.memory_space<hbm>> -> memref<1000000x64xf32, #tpu.memory_space<hbm>>
        tpu.enqueue_indirect_dma source(%dma_start3A_574 : memref<1000000x64xf32, #tpu.memory_space<hbm>>) target(%dma_start3A_568 : memref<100x64xf32, #tpu.memory_space<vmem>>) offsets(%dma_start3A_571 : memref<100xi32, #tpu.memory_space<vmem>>) semaphore(%arg10 : memref<!tpu.dma_semaphore, #tpu.memory_space<semaphore_mem>>)
        %dma_start3A_575 = arith.constant 2 : i32
        %dma_start3A_576 = arith.constant 200 : i32
        %dma_start3A_577 = arith.constant 0 : i32
        %dma_start3A_578 = tpu.memref_slice %arg7[%dma_start3A_576, %dma_start3A_577] : memref<800x64xf32, #tpu.memory_space<vmem>> -> memref<100x64xf32, #tpu.memory_space<vmem>>
        %dma_start3A_579 = arith.constant 0 : i32
        %dma_start3A_580 = tpu.memref_slice %arg5[%dma_start3A_575, %dma_start3A_579] : memref<8x100xi32, #tpu.memory_space<vmem>> -> memref<1x100xi32, #tpu.memory_space<vmem>>
        %dma_start3A_581 = tpu.memref_squeeze %dma_start3A_580 : memref<1x100xi32, #tpu.memory_space<vmem>> -> memref<100xi32, #tpu.memory_space<vmem>>
        %dma_start3A_582 = arith.constant 0 : i32
        %dma_start3A_583 = arith.constant 0 : i32
        %dma_start3A_584 = tpu.memref_slice %arg3[%dma_start3A_582, %dma_start3A_583] : memref<1000000x64xf32, #tpu.memory_space<hbm>> -> memref<1000000x64xf32, #tpu.memory_space<hbm>>
        tpu.enqueue_indirect_dma source(%dma_start3A_584 : memref<1000000x64xf32, #tpu.memory_space<hbm>>) target(%dma_start3A_578 : memref<100x64xf32, #tpu.memory_space<vmem>>) offsets(%dma_start3A_581 : memref<100xi32, #tpu.memory_space<vmem>>) semaphore(%arg10 : memref<!tpu.dma_semaphore, #tpu.memory_space<semaphore_mem>>)
        %dma_start3A_585 = arith.constant 3 : i32
        %dma_start3A_586 = arith.constant 300 : i32
        %dma_start3A_587 = arith.constant 0 : i32
        %dma_start3A_588 = tpu.memref_slice %arg7[%dma_start3A_586, %dma_start3A_587] : memref<800x64xf32, #tpu.memory_space<vmem>> -> memref<100x64xf32, #tpu.memory_space<vmem>>
        %dma_start3A_589 = arith.constant 0 : i32
        %dma_start3A_590 = tpu.memref_slice %arg5[%dma_start3A_585, %dma_start3A_589] : memref<8x100xi32, #tpu.memory_space<vmem>> -> memref<1x100xi32, #tpu.memory_space<vmem>>
        %dma_start3A_591 = tpu.memref_squeeze %dma_start3A_590 : memref<1x100xi32, #tpu.memory_space<vmem>> -> memref<100xi32, #tpu.memory_space<vmem>>
        %dma_start3A_592 = arith.constant 0 : i32
        %dma_start3A_593 = arith.constant 0 : i32
        %dma_start3A_594 = tpu.memref_slice %arg3[%dma_start3A_592, %dma_start3A_593] : memref<1000000x64xf32, #tpu.memory_space<hbm>> -> memref<1000000x64xf32, #tpu.memory_space<hbm>>
        tpu.enqueue_indirect_dma source(%dma_start3A_594 : memref<1000000x64xf32, #tpu.memory_space<hbm>>) target(%dma_start3A_588 : memref<100x64xf32, #tpu.memory_space<vmem>>) offsets(%dma_start3A_591 : memref<100xi32, #tpu.memory_space<vmem>>) semaphore(%arg10 : memref<!tpu.dma_semaphore, #tpu.memory_space<semaphore_mem>>)
        %dma_start3A_595 = arith.constant 4 : i32
        %dma_start3A_596 = arith.constant 400 : i32
        %dma_start3A_597 = arith.constant 0 : i32
        %dma_start3A_598 = tpu.memref_slice %arg7[%dma_start3A_596, %dma_start3A_597] : memref<800x64xf32, #tpu.memory_space<vmem>> -> memref<100x64xf32, #tpu.memory_space<vmem>>
        %dma_start3A_599 = arith.constant 0 : i32
        %dma_start3A_600 = tpu.memref_slice %arg5[%dma_start3A_595, %dma_start3A_599] : memref<8x100xi32, #tpu.memory_space<vmem>> -> memref<1x100xi32, #tpu.memory_space<vmem>>
        %dma_start3A_601 = tpu.memref_squeeze %dma_start3A_600 : memref<1x100xi32, #tpu.memory_space<vmem>> -> memref<100xi32, #tpu.memory_space<vmem>>
        %dma_start3A_602 = arith.constant 0 : i32
        %dma_start3A_603 = arith.constant 0 : i32
        %dma_start3A_604 = tpu.memref_slice %arg3[%dma_start3A_602, %dma_start3A_603] : memref<1000000x64xf32, #tpu.memory_space<hbm>> -> memref<1000000x64xf32, #tpu.memory_space<hbm>>
        tpu.enqueue_indirect_dma source(%dma_start3A_604 : memref<1000000x64xf32, #tpu.memory_space<hbm>>) target(%dma_start3A_598 : memref<100x64xf32, #tpu.memory_space<vmem>>) offsets(%dma_start3A_601 : memref<100xi32, #tpu.memory_space<vmem>>) semaphore(%arg10 : memref<!tpu.dma_semaphore, #tpu.memory_space<semaphore_mem>>)
        %dma_start3A_605 = arith.constant 5 : i32
        %dma_start3A_606 = arith.constant 500 : i32
        %dma_start3A_607 = arith.constant 0 : i32
        %dma_start3A_608 = tpu.memref_slice %arg7[%dma_start3A_606, %dma_start3A_607] : memref<800x64xf32, #tpu.memory_space<vmem>> -> memref<100x64xf32, #tpu.memory_space<vmem>>
        %dma_start3A_609 = arith.constant 0 : i32
        %dma_start3A_610 = tpu.memref_slice %arg5[%dma_start3A_605, %dma_start3A_609] : memref<8x100xi32, #tpu.memory_space<vmem>> -> memref<1x100xi32, #tpu.memory_space<vmem>>
        %dma_start3A_611 = tpu.memref_squeeze %dma_start3A_610 : memref<1x100xi32, #tpu.memory_space<vmem>> -> memref<100xi32, #tpu.memory_space<vmem>>
        %dma_start3A_612 = arith.constant 0 : i32
        %dma_start3A_613 = arith.constant 0 : i32
        %dma_start3A_614 = tpu.memref_slice %arg3[%dma_start3A_612, %dma_start3A_613] : memref<1000000x64xf32, #tpu.memory_space<hbm>> -> memref<1000000x64xf32, #tpu.memory_space<hbm>>
        tpu.enqueue_indirect_dma source(%dma_start3A_614 : memref<1000000x64xf32, #tpu.memory_space<hbm>>) target(%dma_start3A_608 : memref<100x64xf32, #tpu.memory_space<vmem>>) offsets(%dma_start3A_611 : memref<100xi32, #tpu.memory_space<vmem>>) semaphore(%arg10 : memref<!tpu.dma_semaphore, #tpu.memory_space<semaphore_mem>>)
        %dma_start3A_615 = arith.constant 6 : i32
        %dma_start3A_616 = arith.constant 600 : i32
        %dma_start3A_617 = arith.constant 0 : i32
        %dma_start3A_618 = tpu.memref_slice %arg7[%dma_start3A_616, %dma_start3A_617] : memref<800x64xf32, #tpu.memory_space<vmem>> -> memref<100x64xf32, #tpu.memory_space<vmem>>
        %dma_start3A_619 = arith.constant 0 : i32
        %dma_start3A_620 = tpu.memref_slice %arg5[%dma_start3A_615, %dma_start3A_619] : memref<8x100xi32, #tpu.memory_space<vmem>> -> memref<1x100xi32, #tpu.memory_space<vmem>>
        %dma_start3A_621 = tpu.memref_squeeze %dma_start3A_620 : memref<1x100xi32, #tpu.memory_space<vmem>> -> memref<100xi32, #tpu.memory_space<vmem>>
        %dma_start3A_622 = arith.constant 0 : i32
        %dma_start3A_623 = arith.constant 0 : i32
        %dma_start3A_624 = tpu.memref_slice %arg3[%dma_start3A_622, %dma_start3A_623] : memref<1000000x64xf32, #tpu.memory_space<hbm>> -> memref<1000000x64xf32, #tpu.memory_space<hbm>>
        tpu.enqueue_indirect_dma source(%dma_start3A_624 : memref<1000000x64xf32, #tpu.memory_space<hbm>>) target(%dma_start3A_618 : memref<100x64xf32, #tpu.memory_space<vmem>>) offsets(%dma_start3A_621 : memref<100xi32, #tpu.memory_space<vmem>>) semaphore(%arg10 : memref<!tpu.dma_semaphore, #tpu.memory_space<semaphore_mem>>)
        %dma_start3A_625 = arith.constant 7 : i32
        %dma_start3A_626 = arith.constant 700 : i32
        %dma_start3A_627 = arith.constant 0 : i32
        %dma_start3A_628 = tpu.memref_slice %arg7[%dma_start3A_626, %dma_start3A_627] : memref<800x64xf32, #tpu.memory_space<vmem>> -> memref<100x64xf32, #tpu.memory_space<vmem>>
        %dma_start3A_629 = arith.constant 0 : i32
        %dma_start3A_630 = tpu.memref_slice %arg5[%dma_start3A_625, %dma_start3A_629] : memref<8x100xi32, #tpu.memory_space<vmem>> -> memref<1x100xi32, #tpu.memory_space<vmem>>
        %dma_start3A_631 = tpu.memref_squeeze %dma_start3A_630 : memref<1x100xi32, #tpu.memory_space<vmem>> -> memref<100xi32, #tpu.memory_space<vmem>>
        %dma_start3A_632 = arith.constant 0 : i32
        %dma_start3A_633 = arith.constant 0 : i32
        %dma_start3A_634 = tpu.memref_slice %arg3[%dma_start3A_632, %dma_start3A_633] : memref<1000000x64xf32, #tpu.memory_space<hbm>> -> memref<1000000x64xf32, #tpu.memory_space<hbm>>
        tpu.enqueue_indirect_dma source(%dma_start3A_634 : memref<1000000x64xf32, #tpu.memory_space<hbm>>) target(%dma_start3A_628 : memref<100x64xf32, #tpu.memory_space<vmem>>) offsets(%dma_start3A_631 : memref<100xi32, #tpu.memory_space<vmem>>) semaphore(%arg10 : memref<!tpu.dma_semaphore, #tpu.memory_space<semaphore_mem>>)
      } else {
      }
      %add3A_369 = arith.constant 1 : i32
      %add3A_370 = arith.addi %mul3A_91, %add3A_369 : i32
      %broadcast_in_dim3A_371 = arith.constant 0.000000e+00 : f32
      %broadcast_in_dim3A_372 = vector.broadcast %broadcast_in_dim3A_371 : f32 to vector<16xf32>
      %scan3A_373 = arith.constant 0 : i32
      %scan3A_374 = arith.constant 100 : i32
      %scan3A_375 = arith.addi %scan3A_373, %scan3A_374 : i32
      %scan3A_376 = arith.constant 1 : i32
      %scan3A_377:4 = scf.for %scan3A_552 = %scan3A_373 to %scan3A_375 step %scan3A_376 iter_args(%scan3A_553 = %broadcast_in_dim3A_372, %scan3A_554 = %broadcast_in_dim3A_372, %scan3A_555 = %broadcast_in_dim3A_372, %scan3A_556 = %broadcast_in_dim3A_372) -> (vector<16xf32>, vector<16xf32>, vector<16xf32>, vector<16xf32>)  : i32 {
        %mul3A_557 = arith.constant 2 : i32
        %mul3A_558 = arith.muli %mul3A_557, %scan3A_552 : i32
        %add3A_559 = arith.constant 0 : i32
        %add3A_560 = arith.addi %add3A_559, %mul3A_558 : i32
        %get3A = arith.index_cast %add3A_560 : i32 to index
        %get3A_561 = arith.constant 0 : index
        %get3A_562 = tpu.vector_load %arg8[%get3A, %get3A_561] {strides = array<i32>} : memref<800x64xf32, #tpu.memory_space<vmem>>, vector<1x16xf32>,
        %get3A_563 = vector.shape_cast %get3A_562 : vector<1x16xf32> to vector<16xf32>
        %add3A_564 = arith.addf %scan3A_553, %get3A_563 : vector<16xf32>
        %add3A_565 = arith.constant 1 : i32
        %add3A_566 = arith.addi %add3A_560, %add3A_565 : i32
        %get3A_567 = arith.index_cast %add3A_566 : i32 to index
        %get3A_568 = arith.constant 0 : index
        %get3A_569 = tpu.vector_load %arg8[%get3A_567, %get3A_568] {strides = array<i32>} : memref<800x64xf32, #tpu.memory_space<vmem>>, vector<1x16xf32>,
        %get3A_570 = vector.shape_cast %get3A_569 : vector<1x16xf32> to vector<16xf32>
        %add3A_571 = arith.addf %add3A_564, %get3A_570 : vector<16xf32>
        %get3A_572 = arith.index_cast %add3A_560 : i32 to index
        %get3A_573 = arith.constant 16 : index
        %get3A_574 = tpu.vector_load %arg8[%get3A_572, %get3A_573] {strides = array<i32>} : memref<800x64xf32, #tpu.memory_space<vmem>>, vector<1x16xf32>,
        %get3A_575 = vector.shape_cast %get3A_574 : vector<1x16xf32> to vector<16xf32>
        %add3A_576 = arith.addf %scan3A_554, %get3A_575 : vector<16xf32>
        %add3A_577 = arith.constant 1 : i32
        %add3A_578 = arith.addi %add3A_560, %add3A_577 : i32
        %get3A_579 = arith.index_cast %add3A_578 : i32 to index
        %get3A_580 = arith.constant 16 : index
        %get3A_581 = tpu.vector_load %arg8[%get3A_579, %get3A_580] {strides = array<i32>} : memref<800x64xf32, #tpu.memory_space<vmem>>, vector<1x16xf32>,
        %get3A_582 = vector.shape_cast %get3A_581 : vector<1x16xf32> to vector<16xf32>
        %add3A_583 = arith.addf %add3A_576, %get3A_582 : vector<16xf32>
        %get3A_584 = arith.index_cast %add3A_560 : i32 to index
        %get3A_585 = arith.constant 32 : index
        %get3A_586 = tpu.vector_load %arg8[%get3A_584, %get3A_585] {strides = array<i32>} : memref<800x64xf32, #tpu.memory_space<vmem>>, vector<1x16xf32>,
        %get3A_587 = vector.shape_cast %get3A_586 : vector<1x16xf32> to vector<16xf32>
        %add3A_588 = arith.addf %scan3A_555, %get3A_587 : vector<16xf32>
        %add3A_589 = arith.constant 1 : i32
        %add3A_590 = arith.addi %add3A_560, %add3A_589 : i32
        %get3A_591 = arith.index_cast %add3A_590 : i32 to index
        %get3A_592 = arith.constant 32 : index
        %get3A_593 = tpu.vector_load %arg8[%get3A_591, %get3A_592] {strides = array<i32>} : memref<800x64xf32, #tpu.memory_space<vmem>>, vector<1x16xf32>,
        %get3A_594 = vector.shape_cast %get3A_593 : vector<1x16xf32> to vector<16xf32>
        %add3A_595 = arith.addf %add3A_588, %get3A_594 : vector<16xf32>
        %get3A_596 = arith.index_cast %add3A_560 : i32 to index
        %get3A_597 = arith.constant 48 : index
        %get3A_598 = tpu.vector_load %arg8[%get3A_596, %get3A_597] {strides = array<i32>} : memref<800x64xf32, #tpu.memory_space<vmem>>, vector<1x16xf32>,
        %get3A_599 = vector.shape_cast %get3A_598 : vector<1x16xf32> to vector<16xf32>
        %add3A_600 = arith.addf %scan3A_556, %get3A_599 : vector<16xf32>
        %add3A_601 = arith.constant 1 : i32
        %add3A_602 = arith.addi %add3A_560, %add3A_601 : i32
        %get3A_603 = arith.index_cast %add3A_602 : i32 to index
        %get3A_604 = arith.constant 48 : index
        %get3A_605 = tpu.vector_load %arg8[%get3A_603, %get3A_604] {strides = array<i32>} : memref<800x64xf32, #tpu.memory_space<vmem>>, vector<1x16xf32>,
        %get3A_606 = vector.shape_cast %get3A_605 : vector<1x16xf32> to vector<16xf32>
        %add3A_607 = arith.addf %add3A_600, %get3A_606 : vector<16xf32>
        scf.yield %add3A_571, %add3A_583, %add3A_595, %add3A_607 : vector<16xf32>, vector<16xf32>, vector<16xf32>, vector<16xf32>
      }
      %scan3A_378 = arith.constant 100 : i32
      %mul3A_379 = arith.constant 5.000000e-03 : f32
      %mul3A_380 = vector.broadcast %mul3A_379 : f32 to vector<16xf32>
      %mul3A_381 = arith.mulf %scan3A_377#0, %mul3A_380 : vector<16xf32>
      %swap3A_382 = arith.constant 0 : i32
      %swap3A_383 = arith.index_cast %swap3A_382 : i32 to index
      %swap3A_384 = arith.constant 0 : index
      %swap3A_385 = tpu.vector_load %arg9[%swap3A_383, %swap3A_384] {strides = array<i32>} : memref<4x64xf32, #tpu.memory_space<vmem>>, vector<1x16xf32>,
      %swap3A_386 = vector.shape_cast %swap3A_385 : vector<1x16xf32> to vector<16xf32>
      %swap3A_387 = vector.shape_cast %mul3A_381 : vector<16xf32> to vector<1x16xf32>
      tpu.vector_store %arg9[%swap3A_383, %swap3A_384], %swap3A_387 {strides = array<i32>} : memref<4x64xf32, #tpu.memory_space<vmem>>, vector<1x16xf32>,
      %mul3A_388 = arith.constant 5.000000e-03 : f32
      %mul3A_389 = vector.broadcast %mul3A_388 : f32 to vector<16xf32>
      %mul3A_390 = arith.mulf %scan3A_377#1, %mul3A_389 : vector<16xf32>
      %swap3A_391 = arith.constant 0 : i32
      %swap3A_392 = arith.index_cast %swap3A_391 : i32 to index
      %swap3A_393 = arith.constant 16 : index
      %swap3A_394 = tpu.vector_load %arg9[%swap3A_392, %swap3A_393] {strides = array<i32>} : memref<4x64xf32, #tpu.memory_space<vmem>>, vector<1x16xf32>,
      %swap3A_395 = vector.shape_cast %swap3A_394 : vector<1x16xf32> to vector<16xf32>
      %swap3A_396 = vector.shape_cast %mul3A_390 : vector<16xf32> to vector<1x16xf32>
      tpu.vector_store %arg9[%swap3A_392, %swap3A_393], %swap3A_396 {strides = array<i32>} : memref<4x64xf32, #tpu.memory_space<vmem>>, vector<1x16xf32>,
      %mul3A_397 = arith.constant 5.000000e-03 : f32
      %mul3A_398 = vector.broadcast %mul3A_397 : f32 to vector<16xf32>
      %mul3A_399 = arith.mulf %scan3A_377#2, %mul3A_398 : vector<16xf32>
      %swap3A_400 = arith.constant 0 : i32
      %swap3A_401 = arith.index_cast %swap3A_400 : i32 to index
      %swap3A_402 = arith.constant 32 : index
      %swap3A_403 = tpu.vector_load %arg9[%swap3A_401, %swap3A_402] {strides = array<i32>} : memref<4x64xf32, #tpu.memory_space<vmem>>, vector<1x16xf32>,
      %swap3A_404 = vector.shape_cast %swap3A_403 : vector<1x16xf32> to vector<16xf32>
      %swap3A_405 = vector.shape_cast %mul3A_399 : vector<16xf32> to vector<1x16xf32>
      tpu.vector_store %arg9[%swap3A_401, %swap3A_402], %swap3A_405 {strides = array<i32>} : memref<4x64xf32, #tpu.memory_space<vmem>>, vector<1x16xf32>,
      %mul3A_406 = arith.constant 5.000000e-03 : f32
      %mul3A_407 = vector.broadcast %mul3A_406 : f32 to vector<16xf32>
      %mul3A_408 = arith.mulf %scan3A_377#3, %mul3A_407 : vector<16xf32>
      %swap3A_409 = arith.constant 0 : i32
      %swap3A_410 = arith.index_cast %swap3A_409 : i32 to index
      %swap3A_411 = arith.constant 48 : index
      %swap3A_412 = tpu.vector_load %arg9[%swap3A_410, %swap3A_411] {strides = array<i32>} : memref<4x64xf32, #tpu.memory_space<vmem>>, vector<1x16xf32>,
      %swap3A_413 = vector.shape_cast %swap3A_412 : vector<1x16xf32> to vector<16xf32>
      %swap3A_414 = vector.shape_cast %mul3A_408 : vector<16xf32> to vector<1x16xf32>
      tpu.vector_store %arg9[%swap3A_410, %swap3A_411], %swap3A_414 {strides = array<i32>} : memref<4x64xf32, #tpu.memory_space<vmem>>, vector<1x16xf32>,
      %broadcast_in_dim3A_415 = arith.constant 0.000000e+00 : f32
      %broadcast_in_dim3A_416 = vector.broadcast %broadcast_in_dim3A_415 : f32 to vector<16xf32>
      %scan3A_417 = arith.constant 0 : i32
      %scan3A_418 = arith.constant 100 : i32
      %scan3A_419 = arith.addi %scan3A_417, %scan3A_418 : i32
      %scan3A_420 = arith.constant 1 : i32
      %scan3A_421:4 = scf.for %scan3A_552 = %scan3A_417 to %scan3A_419 step %scan3A_420 iter_args(%scan3A_553 = %broadcast_in_dim3A_416, %scan3A_554 = %broadcast_in_dim3A_416, %scan3A_555 = %broadcast_in_dim3A_416, %scan3A_556 = %broadcast_in_dim3A_416) -> (vector<16xf32>, vector<16xf32>, vector<16xf32>, vector<16xf32>)  : i32 {
        %mul3A_557 = arith.constant 2 : i32
        %mul3A_558 = arith.muli %mul3A_557, %scan3A_552 : i32
        %add3A_559 = arith.constant 200 : i32
        %add3A_560 = arith.addi %add3A_559, %mul3A_558 : i32
        %get3A = arith.index_cast %add3A_560 : i32 to index
        %get3A_561 = arith.constant 0 : index
        %get3A_562 = tpu.vector_load %arg8[%get3A, %get3A_561] {strides = array<i32>} : memref<800x64xf32, #tpu.memory_space<vmem>>, vector<1x16xf32>,
        %get3A_563 = vector.shape_cast %get3A_562 : vector<1x16xf32> to vector<16xf32>
        %add3A_564 = arith.addf %scan3A_553, %get3A_563 : vector<16xf32>
        %add3A_565 = arith.constant 1 : i32
        %add3A_566 = arith.addi %add3A_560, %add3A_565 : i32
        %get3A_567 = arith.index_cast %add3A_566 : i32 to index
        %get3A_568 = arith.constant 0 : index
        %get3A_569 = tpu.vector_load %arg8[%get3A_567, %get3A_568] {strides = array<i32>} : memref<800x64xf32, #tpu.memory_space<vmem>>, vector<1x16xf32>,
        %get3A_570 = vector.shape_cast %get3A_569 : vector<1x16xf32> to vector<16xf32>
        %add3A_571 = arith.addf %add3A_564, %get3A_570 : vector<16xf32>
        %get3A_572 = arith.index_cast %add3A_560 : i32 to index
        %get3A_573 = arith.constant 16 : index
        %get3A_574 = tpu.vector_load %arg8[%get3A_572, %get3A_573] {strides = array<i32>} : memref<800x64xf32, #tpu.memory_space<vmem>>, vector<1x16xf32>,
        %get3A_575 = vector.shape_cast %get3A_574 : vector<1x16xf32> to vector<16xf32>
        %add3A_576 = arith.addf %scan3A_554, %get3A_575 : vector<16xf32>
        %add3A_577 = arith.constant 1 : i32
        %add3A_578 = arith.addi %add3A_560, %add3A_577 : i32
        %get3A_579 = arith.index_cast %add3A_578 : i32 to index
        %get3A_580 = arith.constant 16 : index
        %get3A_581 = tpu.vector_load %arg8[%get3A_579, %get3A_580] {strides = array<i32>} : memref<800x64xf32, #tpu.memory_space<vmem>>, vector<1x16xf32>,
        %get3A_582 = vector.shape_cast %get3A_581 : vector<1x16xf32> to vector<16xf32>
        %add3A_583 = arith.addf %add3A_576, %get3A_582 : vector<16xf32>
        %get3A_584 = arith.index_cast %add3A_560 : i32 to index
        %get3A_585 = arith.constant 32 : index
        %get3A_586 = tpu.vector_load %arg8[%get3A_584, %get3A_585] {strides = array<i32>} : memref<800x64xf32, #tpu.memory_space<vmem>>, vector<1x16xf32>,
        %get3A_587 = vector.shape_cast %get3A_586 : vector<1x16xf32> to vector<16xf32>
        %add3A_588 = arith.addf %scan3A_555, %get3A_587 : vector<16xf32>
        %add3A_589 = arith.constant 1 : i32
        %add3A_590 = arith.addi %add3A_560, %add3A_589 : i32
        %get3A_591 = arith.index_cast %add3A_590 : i32 to index
        %get3A_592 = arith.constant 32 : index
        %get3A_593 = tpu.vector_load %arg8[%get3A_591, %get3A_592] {strides = array<i32>} : memref<800x64xf32, #tpu.memory_space<vmem>>, vector<1x16xf32>,
        %get3A_594 = vector.shape_cast %get3A_593 : vector<1x16xf32> to vector<16xf32>
        %add3A_595 = arith.addf %add3A_588, %get3A_594 : vector<16xf32>
        %get3A_596 = arith.index_cast %add3A_560 : i32 to index
        %get3A_597 = arith.constant 48 : index
        %get3A_598 = tpu.vector_load %arg8[%get3A_596, %get3A_597] {strides = array<i32>} : memref<800x64xf32, #tpu.memory_space<vmem>>, vector<1x16xf32>,
        %get3A_599 = vector.shape_cast %get3A_598 : vector<1x16xf32> to vector<16xf32>
        %add3A_600 = arith.addf %scan3A_556, %get3A_599 : vector<16xf32>
        %add3A_601 = arith.constant 1 : i32
        %add3A_602 = arith.addi %add3A_560, %add3A_601 : i32
        %get3A_603 = arith.index_cast %add3A_602 : i32 to index
        %get3A_604 = arith.constant 48 : index
        %get3A_605 = tpu.vector_load %arg8[%get3A_603, %get3A_604] {strides = array<i32>} : memref<800x64xf32, #tpu.memory_space<vmem>>, vector<1x16xf32>,
        %get3A_606 = vector.shape_cast %get3A_605 : vector<1x16xf32> to vector<16xf32>
        %add3A_607 = arith.addf %add3A_600, %get3A_606 : vector<16xf32>
        scf.yield %add3A_571, %add3A_583, %add3A_595, %add3A_607 : vector<16xf32>, vector<16xf32>, vector<16xf32>, vector<16xf32>
      }
      %scan3A_422 = arith.constant 100 : i32
      %mul3A_423 = arith.constant 5.000000e-03 : f32
      %mul3A_424 = vector.broadcast %mul3A_423 : f32 to vector<16xf32>
      %mul3A_425 = arith.mulf %scan3A_421#0, %mul3A_424 : vector<16xf32>
      %swap3A_426 = arith.constant 1 : i32
      %swap3A_427 = arith.index_cast %swap3A_426 : i32 to index
      %swap3A_428 = arith.constant 0 : index
      %swap3A_429 = tpu.vector_load %arg9[%swap3A_427, %swap3A_428] {strides = array<i32>} : memref<4x64xf32, #tpu.memory_space<vmem>>, vector<1x16xf32>,
      %swap3A_430 = vector.shape_cast %swap3A_429 : vector<1x16xf32> to vector<16xf32>
      %swap3A_431 = vector.shape_cast %mul3A_425 : vector<16xf32> to vector<1x16xf32>
      tpu.vector_store %arg9[%swap3A_427, %swap3A_428], %swap3A_431 {strides = array<i32>} : memref<4x64xf32, #tpu.memory_space<vmem>>, vector<1x16xf32>,
      %mul3A_432 = arith.constant 5.000000e-03 : f32
      %mul3A_433 = vector.broadcast %mul3A_432 : f32 to vector<16xf32>
      %mul3A_434 = arith.mulf %scan3A_421#1, %mul3A_433 : vector<16xf32>
      %swap3A_435 = arith.constant 1 : i32
      %swap3A_436 = arith.index_cast %swap3A_435 : i32 to index
      %swap3A_437 = arith.constant 16 : index
      %swap3A_438 = tpu.vector_load %arg9[%swap3A_436, %swap3A_437] {strides = array<i32>} : memref<4x64xf32, #tpu.memory_space<vmem>>, vector<1x16xf32>,
      %swap3A_439 = vector.shape_cast %swap3A_438 : vector<1x16xf32> to vector<16xf32>
      %swap3A_440 = vector.shape_cast %mul3A_434 : vector<16xf32> to vector<1x16xf32>
      tpu.vector_store %arg9[%swap3A_436, %swap3A_437], %swap3A_440 {strides = array<i32>} : memref<4x64xf32, #tpu.memory_space<vmem>>, vector<1x16xf32>,
      %mul3A_441 = arith.constant 5.000000e-03 : f32
      %mul3A_442 = vector.broadcast %mul3A_441 : f32 to vector<16xf32>
      %mul3A_443 = arith.mulf %scan3A_421#2, %mul3A_442 : vector<16xf32>
      %swap3A_444 = arith.constant 1 : i32
      %swap3A_445 = arith.index_cast %swap3A_444 : i32 to index
      %swap3A_446 = arith.constant 32 : index
      %swap3A_447 = tpu.vector_load %arg9[%swap3A_445, %swap3A_446] {strides = array<i32>} : memref<4x64xf32, #tpu.memory_space<vmem>>, vector<1x16xf32>,
      %swap3A_448 = vector.shape_cast %swap3A_447 : vector<1x16xf32> to vector<16xf32>
      %swap3A_449 = vector.shape_cast %mul3A_443 : vector<16xf32> to vector<1x16xf32>
      tpu.vector_store %arg9[%swap3A_445, %swap3A_446], %swap3A_449 {strides = array<i32>} : memref<4x64xf32, #tpu.memory_space<vmem>>, vector<1x16xf32>,
      %mul3A_450 = arith.constant 5.000000e-03 : f32
      %mul3A_451 = vector.broadcast %mul3A_450 : f32 to vector<16xf32>
      %mul3A_452 = arith.mulf %scan3A_421#3, %mul3A_451 : vector<16xf32>
      %swap3A_453 = arith.constant 1 : i32
      %swap3A_454 = arith.index_cast %swap3A_453 : i32 to index
      %swap3A_455 = arith.constant 48 : index
      %swap3A_456 = tpu.vector_load %arg9[%swap3A_454, %swap3A_455] {strides = array<i32>} : memref<4x64xf32, #tpu.memory_space<vmem>>, vector<1x16xf32>,
      %swap3A_457 = vector.shape_cast %swap3A_456 : vector<1x16xf32> to vector<16xf32>
      %swap3A_458 = vector.shape_cast %mul3A_452 : vector<16xf32> to vector<1x16xf32>
      tpu.vector_store %arg9[%swap3A_454, %swap3A_455], %swap3A_458 {strides = array<i32>} : memref<4x64xf32, #tpu.memory_space<vmem>>, vector<1x16xf32>,
      %broadcast_in_dim3A_459 = arith.constant 0.000000e+00 : f32
      %broadcast_in_dim3A_460 = vector.broadcast %broadcast_in_dim3A_459 : f32 to vector<16xf32>
      %scan3A_461 = arith.constant 0 : i32
      %scan3A_462 = arith.constant 100 : i32
      %scan3A_463 = arith.addi %scan3A_461, %scan3A_462 : i32
      %scan3A_464 = arith.constant 1 : i32
      %scan3A_465:4 = scf.for %scan3A_552 = %scan3A_461 to %scan3A_463 step %scan3A_464 iter_args(%scan3A_553 = %broadcast_in_dim3A_460, %scan3A_554 = %broadcast_in_dim3A_460, %scan3A_555 = %broadcast_in_dim3A_460, %scan3A_556 = %broadcast_in_dim3A_460) -> (vector<16xf32>, vector<16xf32>, vector<16xf32>, vector<16xf32>)  : i32 {
        %mul3A_557 = arith.constant 2 : i32
        %mul3A_558 = arith.muli %mul3A_557, %scan3A_552 : i32
        %add3A_559 = arith.constant 400 : i32
        %add3A_560 = arith.addi %add3A_559, %mul3A_558 : i32
        %get3A = arith.index_cast %add3A_560 : i32 to index
        %get3A_561 = arith.constant 0 : index
        %get3A_562 = tpu.vector_load %arg8[%get3A, %get3A_561] {strides = array<i32>} : memref<800x64xf32, #tpu.memory_space<vmem>>, vector<1x16xf32>,
        %get3A_563 = vector.shape_cast %get3A_562 : vector<1x16xf32> to vector<16xf32>
        %add3A_564 = arith.addf %scan3A_553, %get3A_563 : vector<16xf32>
        %add3A_565 = arith.constant 1 : i32
        %add3A_566 = arith.addi %add3A_560, %add3A_565 : i32
        %get3A_567 = arith.index_cast %add3A_566 : i32 to index
        %get3A_568 = arith.constant 0 : index
        %get3A_569 = tpu.vector_load %arg8[%get3A_567, %get3A_568] {strides = array<i32>} : memref<800x64xf32, #tpu.memory_space<vmem>>, vector<1x16xf32>,
        %get3A_570 = vector.shape_cast %get3A_569 : vector<1x16xf32> to vector<16xf32>
        %add3A_571 = arith.addf %add3A_564, %get3A_570 : vector<16xf32>
        %get3A_572 = arith.index_cast %add3A_560 : i32 to index
        %get3A_573 = arith.constant 16 : index
        %get3A_574 = tpu.vector_load %arg8[%get3A_572, %get3A_573] {strides = array<i32>} : memref<800x64xf32, #tpu.memory_space<vmem>>, vector<1x16xf32>,
        %get3A_575 = vector.shape_cast %get3A_574 : vector<1x16xf32> to vector<16xf32>
        %add3A_576 = arith.addf %scan3A_554, %get3A_575 : vector<16xf32>
        %add3A_577 = arith.constant 1 : i32
        %add3A_578 = arith.addi %add3A_560, %add3A_577 : i32
        %get3A_579 = arith.index_cast %add3A_578 : i32 to index
        %get3A_580 = arith.constant 16 : index
        %get3A_581 = tpu.vector_load %arg8[%get3A_579, %get3A_580] {strides = array<i32>} : memref<800x64xf32, #tpu.memory_space<vmem>>, vector<1x16xf32>,
        %get3A_582 = vector.shape_cast %get3A_581 : vector<1x16xf32> to vector<16xf32>
        %add3A_583 = arith.addf %add3A_576, %get3A_582 : vector<16xf32>
        %get3A_584 = arith.index_cast %add3A_560 : i32 to index
        %get3A_585 = arith.constant 32 : index
        %get3A_586 = tpu.vector_load %arg8[%get3A_584, %get3A_585] {strides = array<i32>} : memref<800x64xf32, #tpu.memory_space<vmem>>, vector<1x16xf32>,
        %get3A_587 = vector.shape_cast %get3A_586 : vector<1x16xf32> to vector<16xf32>
        %add3A_588 = arith.addf %scan3A_555, %get3A_587 : vector<16xf32>
        %add3A_589 = arith.constant 1 : i32
        %add3A_590 = arith.addi %add3A_560, %add3A_589 : i32
        %get3A_591 = arith.index_cast %add3A_590 : i32 to index
        %get3A_592 = arith.constant 32 : index
        %get3A_593 = tpu.vector_load %arg8[%get3A_591, %get3A_592] {strides = array<i32>} : memref<800x64xf32, #tpu.memory_space<vmem>>, vector<1x16xf32>,
        %get3A_594 = vector.shape_cast %get3A_593 : vector<1x16xf32> to vector<16xf32>
        %add3A_595 = arith.addf %add3A_588, %get3A_594 : vector<16xf32>
        %get3A_596 = arith.index_cast %add3A_560 : i32 to index
        %get3A_597 = arith.constant 48 : index
        %get3A_598 = tpu.vector_load %arg8[%get3A_596, %get3A_597] {strides = array<i32>} : memref<800x64xf32, #tpu.memory_space<vmem>>, vector<1x16xf32>,
        %get3A_599 = vector.shape_cast %get3A_598 : vector<1x16xf32> to vector<16xf32>
        %add3A_600 = arith.addf %scan3A_556, %get3A_599 : vector<16xf32>
        %add3A_601 = arith.constant 1 : i32
        %add3A_602 = arith.addi %add3A_560, %add3A_601 : i32
        %get3A_603 = arith.index_cast %add3A_602 : i32 to index
        %get3A_604 = arith.constant 48 : index
        %get3A_605 = tpu.vector_load %arg8[%get3A_603, %get3A_604] {strides = array<i32>} : memref<800x64xf32, #tpu.memory_space<vmem>>, vector<1x16xf32>,
        %get3A_606 = vector.shape_cast %get3A_605 : vector<1x16xf32> to vector<16xf32>
        %add3A_607 = arith.addf %add3A_600, %get3A_606 : vector<16xf32>
        scf.yield %add3A_571, %add3A_583, %add3A_595, %add3A_607 : vector<16xf32>, vector<16xf32>, vector<16xf32>, vector<16xf32>
      }
      %scan3A_466 = arith.constant 100 : i32
      %mul3A_467 = arith.constant 5.000000e-03 : f32
      %mul3A_468 = vector.broadcast %mul3A_467 : f32 to vector<16xf32>
      %mul3A_469 = arith.mulf %scan3A_465#0, %mul3A_468 : vector<16xf32>
      %swap3A_470 = arith.constant 2 : i32
      %swap3A_471 = arith.index_cast %swap3A_470 : i32 to index
      %swap3A_472 = arith.constant 0 : index
      %swap3A_473 = tpu.vector_load %arg9[%swap3A_471, %swap3A_472] {strides = array<i32>} : memref<4x64xf32, #tpu.memory_space<vmem>>, vector<1x16xf32>,
      %swap3A_474 = vector.shape_cast %swap3A_473 : vector<1x16xf32> to vector<16xf32>
      %swap3A_475 = vector.shape_cast %mul3A_469 : vector<16xf32> to vector<1x16xf32>
      tpu.vector_store %arg9[%swap3A_471, %swap3A_472], %swap3A_475 {strides = array<i32>} : memref<4x64xf32, #tpu.memory_space<vmem>>, vector<1x16xf32>,
      %mul3A_476 = arith.constant 5.000000e-03 : f32
      %mul3A_477 = vector.broadcast %mul3A_476 : f32 to vector<16xf32>
      %mul3A_478 = arith.mulf %scan3A_465#1, %mul3A_477 : vector<16xf32>
      %swap3A_479 = arith.constant 2 : i32
      %swap3A_480 = arith.index_cast %swap3A_479 : i32 to index
      %swap3A_481 = arith.constant 16 : index
      %swap3A_482 = tpu.vector_load %arg9[%swap3A_480, %swap3A_481] {strides = array<i32>} : memref<4x64xf32, #tpu.memory_space<vmem>>, vector<1x16xf32>,
      %swap3A_483 = vector.shape_cast %swap3A_482 : vector<1x16xf32> to vector<16xf32>
      %swap3A_484 = vector.shape_cast %mul3A_478 : vector<16xf32> to vector<1x16xf32>
      tpu.vector_store %arg9[%swap3A_480, %swap3A_481], %swap3A_484 {strides = array<i32>} : memref<4x64xf32, #tpu.memory_space<vmem>>, vector<1x16xf32>,
      %mul3A_485 = arith.constant 5.000000e-03 : f32
      %mul3A_486 = vector.broadcast %mul3A_485 : f32 to vector<16xf32>
      %mul3A_487 = arith.mulf %scan3A_465#2, %mul3A_486 : vector<16xf32>
      %swap3A_488 = arith.constant 2 : i32
      %swap3A_489 = arith.index_cast %swap3A_488 : i32 to index
      %swap3A_490 = arith.constant 32 : index
      %swap3A_491 = tpu.vector_load %arg9[%swap3A_489, %swap3A_490] {strides = array<i32>} : memref<4x64xf32, #tpu.memory_space<vmem>>, vector<1x16xf32>,
      %swap3A_492 = vector.shape_cast %swap3A_491 : vector<1x16xf32> to vector<16xf32>
      %swap3A_493 = vector.shape_cast %mul3A_487 : vector<16xf32> to vector<1x16xf32>
      tpu.vector_store %arg9[%swap3A_489, %swap3A_490], %swap3A_493 {strides = array<i32>} : memref<4x64xf32, #tpu.memory_space<vmem>>, vector<1x16xf32>,
      %mul3A_494 = arith.constant 5.000000e-03 : f32
      %mul3A_495 = vector.broadcast %mul3A_494 : f32 to vector<16xf32>
      %mul3A_496 = arith.mulf %scan3A_465#3, %mul3A_495 : vector<16xf32>
      %swap3A_497 = arith.constant 2 : i32
      %swap3A_498 = arith.index_cast %swap3A_497 : i32 to index
      %swap3A_499 = arith.constant 48 : index
      %swap3A_500 = tpu.vector_load %arg9[%swap3A_498, %swap3A_499] {strides = array<i32>} : memref<4x64xf32, #tpu.memory_space<vmem>>, vector<1x16xf32>,
      %swap3A_501 = vector.shape_cast %swap3A_500 : vector<1x16xf32> to vector<16xf32>
      %swap3A_502 = vector.shape_cast %mul3A_496 : vector<16xf32> to vector<1x16xf32>
      tpu.vector_store %arg9[%swap3A_498, %swap3A_499], %swap3A_502 {strides = array<i32>} : memref<4x64xf32, #tpu.memory_space<vmem>>, vector<1x16xf32>,
      %broadcast_in_dim3A_503 = arith.constant 0.000000e+00 : f32
      %broadcast_in_dim3A_504 = vector.broadcast %broadcast_in_dim3A_503 : f32 to vector<16xf32>
      %scan3A_505 = arith.constant 0 : i32
      %scan3A_506 = arith.constant 100 : i32
      %scan3A_507 = arith.addi %scan3A_505, %scan3A_506 : i32
      %scan3A_508 = arith.constant 1 : i32
      %scan3A_509:4 = scf.for %scan3A_552 = %scan3A_505 to %scan3A_507 step %scan3A_508 iter_args(%scan3A_553 = %broadcast_in_dim3A_504, %scan3A_554 = %broadcast_in_dim3A_504, %scan3A_555 = %broadcast_in_dim3A_504, %scan3A_556 = %broadcast_in_dim3A_504) -> (vector<16xf32>, vector<16xf32>, vector<16xf32>, vector<16xf32>)  : i32 {
        %mul3A_557 = arith.constant 2 : i32
        %mul3A_558 = arith.muli %mul3A_557, %scan3A_552 : i32
        %add3A_559 = arith.constant 600 : i32
        %add3A_560 = arith.addi %add3A_559, %mul3A_558 : i32
        %get3A = arith.index_cast %add3A_560 : i32 to index
        %get3A_561 = arith.constant 0 : index
        %get3A_562 = tpu.vector_load %arg8[%get3A, %get3A_561] {strides = array<i32>} : memref<800x64xf32, #tpu.memory_space<vmem>>, vector<1x16xf32>,
        %get3A_563 = vector.shape_cast %get3A_562 : vector<1x16xf32> to vector<16xf32>
        %add3A_564 = arith.addf %scan3A_553, %get3A_563 : vector<16xf32>
        %add3A_565 = arith.constant 1 : i32
        %add3A_566 = arith.addi %add3A_560, %add3A_565 : i32
        %get3A_567 = arith.index_cast %add3A_566 : i32 to index
        %get3A_568 = arith.constant 0 : index
        %get3A_569 = tpu.vector_load %arg8[%get3A_567, %get3A_568] {strides = array<i32>} : memref<800x64xf32, #tpu.memory_space<vmem>>, vector<1x16xf32>,
        %get3A_570 = vector.shape_cast %get3A_569 : vector<1x16xf32> to vector<16xf32>
        %add3A_571 = arith.addf %add3A_564, %get3A_570 : vector<16xf32>
        %get3A_572 = arith.index_cast %add3A_560 : i32 to index
        %get3A_573 = arith.constant 16 : index
        %get3A_574 = tpu.vector_load %arg8[%get3A_572, %get3A_573] {strides = array<i32>} : memref<800x64xf32, #tpu.memory_space<vmem>>, vector<1x16xf32>,
        %get3A_575 = vector.shape_cast %get3A_574 : vector<1x16xf32> to vector<16xf32>
        %add3A_576 = arith.addf %scan3A_554, %get3A_575 : vector<16xf32>
        %add3A_577 = arith.constant 1 : i32
        %add3A_578 = arith.addi %add3A_560, %add3A_577 : i32
        %get3A_579 = arith.index_cast %add3A_578 : i32 to index
        %get3A_580 = arith.constant 16 : index
        %get3A_581 = tpu.vector_load %arg8[%get3A_579, %get3A_580] {strides = array<i32>} : memref<800x64xf32, #tpu.memory_space<vmem>>, vector<1x16xf32>,
        %get3A_582 = vector.shape_cast %get3A_581 : vector<1x16xf32> to vector<16xf32>
        %add3A_583 = arith.addf %add3A_576, %get3A_582 : vector<16xf32>
        %get3A_584 = arith.index_cast %add3A_560 : i32 to index
        %get3A_585 = arith.constant 32 : index
        %get3A_586 = tpu.vector_load %arg8[%get3A_584, %get3A_585] {strides = array<i32>} : memref<800x64xf32, #tpu.memory_space<vmem>>, vector<1x16xf32>,
        %get3A_587 = vector.shape_cast %get3A_586 : vector<1x16xf32> to vector<16xf32>
        %add3A_588 = arith.addf %scan3A_555, %get3A_587 : vector<16xf32>
        %add3A_589 = arith.constant 1 : i32
        %add3A_590 = arith.addi %add3A_560, %add3A_589 : i32
        %get3A_591 = arith.index_cast %add3A_590 : i32 to index
        %get3A_592 = arith.constant 32 : index
        %get3A_593 = tpu.vector_load %arg8[%get3A_591, %get3A_592] {strides = array<i32>} : memref<800x64xf32, #tpu.memory_space<vmem>>, vector<1x16xf32>,
        %get3A_594 = vector.shape_cast %get3A_593 : vector<1x16xf32> to vector<16xf32>
        %add3A_595 = arith.addf %add3A_588, %get3A_594 : vector<16xf32>
        %get3A_596 = arith.index_cast %add3A_560 : i32 to index
        %get3A_597 = arith.constant 48 : index
        %get3A_598 = tpu.vector_load %arg8[%get3A_596, %get3A_597] {strides = array<i32>} : memref<800x64xf32, #tpu.memory_space<vmem>>, vector<1x16xf32>,
        %get3A_599 = vector.shape_cast %get3A_598 : vector<1x16xf32> to vector<16xf32>
        %add3A_600 = arith.addf %scan3A_556, %get3A_599 : vector<16xf32>
        %add3A_601 = arith.constant 1 : i32
        %add3A_602 = arith.addi %add3A_560, %add3A_601 : i32
        %get3A_603 = arith.index_cast %add3A_602 : i32 to index
        %get3A_604 = arith.constant 48 : index
        %get3A_605 = tpu.vector_load %arg8[%get3A_603, %get3A_604] {strides = array<i32>} : memref<800x64xf32, #tpu.memory_space<vmem>>, vector<1x16xf32>,
        %get3A_606 = vector.shape_cast %get3A_605 : vector<1x16xf32> to vector<16xf32>
        %add3A_607 = arith.addf %add3A_600, %get3A_606 : vector<16xf32>
        scf.yield %add3A_571, %add3A_583, %add3A_595, %add3A_607 : vector<16xf32>, vector<16xf32>, vector<16xf32>, vector<16xf32>
      }
      %scan3A_510 = arith.constant 100 : i32
      %mul3A_511 = arith.constant 5.000000e-03 : f32
      %mul3A_512 = vector.broadcast %mul3A_511 : f32 to vector<16xf32>
      %mul3A_513 = arith.mulf %scan3A_509#0, %mul3A_512 : vector<16xf32>
      %swap3A_514 = arith.constant 3 : i32
      %swap3A_515 = arith.index_cast %swap3A_514 : i32 to index
      %swap3A_516 = arith.constant 0 : index
      %swap3A_517 = tpu.vector_load %arg9[%swap3A_515, %swap3A_516] {strides = array<i32>} : memref<4x64xf32, #tpu.memory_space<vmem>>, vector<1x16xf32>,
      %swap3A_518 = vector.shape_cast %swap3A_517 : vector<1x16xf32> to vector<16xf32>
      %swap3A_519 = vector.shape_cast %mul3A_513 : vector<16xf32> to vector<1x16xf32>
      tpu.vector_store %arg9[%swap3A_515, %swap3A_516], %swap3A_519 {strides = array<i32>} : memref<4x64xf32, #tpu.memory_space<vmem>>, vector<1x16xf32>,
      %mul3A_520 = arith.constant 5.000000e-03 : f32
      %mul3A_521 = vector.broadcast %mul3A_520 : f32 to vector<16xf32>
      %mul3A_522 = arith.mulf %scan3A_509#1, %mul3A_521 : vector<16xf32>
      %swap3A_523 = arith.constant 3 : i32
      %swap3A_524 = arith.index_cast %swap3A_523 : i32 to index
      %swap3A_525 = arith.constant 16 : index
      %swap3A_526 = tpu.vector_load %arg9[%swap3A_524, %swap3A_525] {strides = array<i32>} : memref<4x64xf32, #tpu.memory_space<vmem>>, vector<1x16xf32>,
      %swap3A_527 = vector.shape_cast %swap3A_526 : vector<1x16xf32> to vector<16xf32>
      %swap3A_528 = vector.shape_cast %mul3A_522 : vector<16xf32> to vector<1x16xf32>
      tpu.vector_store %arg9[%swap3A_524, %swap3A_525], %swap3A_528 {strides = array<i32>} : memref<4x64xf32, #tpu.memory_space<vmem>>, vector<1x16xf32>,
      %mul3A_529 = arith.constant 5.000000e-03 : f32
      %mul3A_530 = vector.broadcast %mul3A_529 : f32 to vector<16xf32>
      %mul3A_531 = arith.mulf %scan3A_509#2, %mul3A_530 : vector<16xf32>
      %swap3A_532 = arith.constant 3 : i32
      %swap3A_533 = arith.index_cast %swap3A_532 : i32 to index
      %swap3A_534 = arith.constant 32 : index
      %swap3A_535 = tpu.vector_load %arg9[%swap3A_533, %swap3A_534] {strides = array<i32>} : memref<4x64xf32, #tpu.memory_space<vmem>>, vector<1x16xf32>,
      %swap3A_536 = vector.shape_cast %swap3A_535 : vector<1x16xf32> to vector<16xf32>
      %swap3A_537 = vector.shape_cast %mul3A_531 : vector<16xf32> to vector<1x16xf32>
      tpu.vector_store %arg9[%swap3A_533, %swap3A_534], %swap3A_537 {strides = array<i32>} : memref<4x64xf32, #tpu.memory_space<vmem>>, vector<1x16xf32>,
      %mul3A_538 = arith.constant 5.000000e-03 : f32
      %mul3A_539 = vector.broadcast %mul3A_538 : f32 to vector<16xf32>
      %mul3A_540 = arith.mulf %scan3A_509#3, %mul3A_539 : vector<16xf32>
      %swap3A_541 = arith.constant 3 : i32
      %swap3A_542 = arith.index_cast %swap3A_541 : i32 to index
      %swap3A_543 = arith.constant 48 : index
      %swap3A_544 = tpu.vector_load %arg9[%swap3A_542, %swap3A_543] {strides = array<i32>} : memref<4x64xf32, #tpu.memory_space<vmem>>, vector<1x16xf32>,
      %swap3A_545 = vector.shape_cast %swap3A_544 : vector<1x16xf32> to vector<16xf32>
      %swap3A_546 = vector.shape_cast %mul3A_540 : vector<16xf32> to vector<1x16xf32>
      tpu.vector_store %arg9[%swap3A_542, %swap3A_543], %swap3A_546 {strides = array<i32>} : memref<4x64xf32, #tpu.memory_space<vmem>>, vector<1x16xf32>,
      %mul3A_547 = arith.constant 128 : i32
      %mul3A_548 = arith.muli %add3A, %mul3A_547 : i32
      %mul3A_549 = arith.constant 4 : i32
      %mul3A_550 = arith.muli %add3A_370, %mul3A_549 : i32
      %add3A_551 = arith.addi %mul3A_548, %mul3A_550 : i32
      "tpu.region"() ({
        %run_scoped3A = tpu.sem_alloc : memref<!tpu.dma_semaphore, #tpu.memory_space<semaphore_mem>>
        %dma_start3A_552 = arith.constant 0 : i32
        %dma_start3A_553 = tpu.memref_slice %arg4[%add3A_551, %dma_start3A_552] : memref<4096x64xf32, #tpu.memory_space<hbm>> -> memref<4x64xf32, #tpu.memory_space<hbm>>
        %dma_start3A_554 = arith.constant 0 : i32
        %dma_start3A_555 = tpu.memref_slice %arg4[%add3A_551, %dma_start3A_554] : memref<4096x64xf32, #tpu.memory_space<hbm>> -> memref<4x64xf32, #tpu.memory_space<hbm>>
        tpu.enqueue_dma source(%arg9 : memref<4x64xf32, #tpu.memory_space<vmem>>) target(%dma_start3A_555 : memref<4x64xf32, #tpu.memory_space<hbm>>) target_semaphore(%run_scoped3A : memref<!tpu.dma_semaphore, #tpu.memory_space<semaphore_mem>>)
        %dma_wait3A_556 = arith.constant 0 : i32
        %dma_wait3A_557 = tpu.memref_slice %arg4[%add3A_551, %dma_wait3A_556] : memref<4096x64xf32, #tpu.memory_space<hbm>> -> memref<4x64xf32, #tpu.memory_space<hbm>>
        %dma_wait3A_558 = arith.constant 0 : i32
        %dma_wait3A_559 = tpu.memref_slice %arg4[%add3A_551, %dma_wait3A_558] : memref<4096x64xf32, #tpu.memory_space<hbm>> -> memref<4x64xf32, #tpu.memory_space<hbm>>
        tpu.wait_dma2 semaphore(%run_scoped3A : memref<!tpu.dma_semaphore, #tpu.memory_space<semaphore_mem>>) src(%arg9 : memref<4x64xf32, #tpu.memory_space<vmem>>) dst(%dma_wait3A_559 : memref<4x64xf32, #tpu.memory_space<hbm>>)
        tpu.yield
      }) : () -> ()
    }
    %scan3A_88 = arith.constant 16 : i32
    return
  }
}

module attributes {stable_mosaic.version = 14 : i64} {
  func.func @_head_body(%arg0: memref<4096x64xf32, #tpu.memory_space<vmem>>, %arg1: memref<64x2xf32, #tpu.memory_space<vmem>>, %arg2: memref<1x2xf32, #tpu.memory_space<vmem>>, %arg3: memref<4096x2xf32, #tpu.memory_space<vmem>>) attributes {dimension_semantics = [], scalar_prefetch = 0 : i64, scratch_operands = 0 : i64, tpu.core_type = #tpu.core_type<tc>} {
    %get3A = arith.constant 0 : index
    %get3A_0 = arith.constant 0 : index
    %get3A_1 = vector.load %arg0[%get3A, %get3A_0] : memref<4096x64xf32, #tpu.memory_space<vmem>>, vector<4096x64xf32>
    %get3A_2 = arith.constant 0 : index
    %get3A_3 = arith.constant 0 : index
    %get3A_4 = vector.load %arg1[%get3A_2, %get3A_3] : memref<64x2xf32, #tpu.memory_space<vmem>>, vector<64x2xf32>
    %dot_general3A = arith.constant dense<0.000000e+00> : vector<4096x2xf32>
    %dot_general3A_5 = tpu.matmul %get3A_1, %get3A_4, %dot_general3A {dimension_numbers = #tpu.dot_dimension_numbers<[1], [0], [0], [1], [0, 0, 1, 1], [], []>, transpose_lhs_hint = false} : vector<4096x64xf32>, vector<64x2xf32>, vector<4096x2xf32> -> vector<4096x2xf32>
    %get3A_6 = arith.constant 0 : index
    %get3A_7 = arith.constant 0 : index
    %get3A_8 = vector.load %arg2[%get3A_6, %get3A_7] : memref<1x2xf32, #tpu.memory_space<vmem>>, vector<1x2xf32>
    %add3A = vector.broadcast %get3A_8 : vector<1x2xf32> to vector<4096x2xf32>
    %add3A_9 = arith.addf %dot_general3A_5, %add3A : vector<4096x2xf32>
    %swap3A = arith.constant 0 : index
    %swap3A_10 = arith.constant 0 : index
    %swap3A_11 = vector.load %arg3[%swap3A, %swap3A_10] : memref<4096x2xf32, #tpu.memory_space<vmem>>, vector<4096x2xf32>
    tpu.vector_store %arg3[%swap3A, %swap3A_10], %add3A_9 {strides = array<i32>} : memref<4096x2xf32, #tpu.memory_space<vmem>>, vector<4096x2xf32>,
    return
  }
}

</mosaic_0001>

<sc_bundles>
// kernel: kernel.4.cloned.1.call-start
scs
__scs_entry_jumppad:
0x0: {  	(pc) =	sbr.rel $0x88, $3  }
0x1: {  	(tag) =	ssettag $0x0;
	lr =	simm.s32 $0x1  }
0x2: {  	[smem:$0x3F9D] =	sst lr;
	_ =	strace $0xD0000000  }
0x3: {  	_ = 	snop  }
0x4: {  	_ = 	snop  }
0x5: {  	_ = 	snop  }
0x6: {  	_ = 	snop  }
0x7: {  	_ = 	snop  }
__scs_overlays_trampoline_lowered:
0x8: {  	[smem:$0x3FAC] =	sst s0  }
0x9: {  	[smem:$0x3FAD] =	sst s1  }
0xa: {  	[smem:$0x3FAE] =	sst s2  }
0xb: {  	[smem:$0x3FAF] =	sst s3  }
0xc: {  	[smem:$0x3FB0] =	sst s4  }
0xd: {  	[smem:$0x3FB1] =	sst s5  }
0xe: {  	[smem:$0x3FB2] =	sst s6  }
0xf: {  	[smem:$0x3FB3] =	sst s7  }
0x10: {  	[smem:$0x3FB4] =	sst s8  }
0x11: {  	[smem:$0x3FB5] =	sst s9;
	s0 =	simm.s32 @!p0 $0x0  }
0x12: {  	s1 =	sld [smem:$0x3F9B];
	s0 =	simm.s32 @p0 $0x1  }
0x13: {  	[smem:$0x3FB6] =	sst s0;
	s0 =	simm.s32 @!p1 $0x0  }
0x14: {  	s2 =	sld [smem:$0x3F9A];
	s0 =	simm.s32 @p1 $0x1  }
0x15: {  	[smem:$0x3FB7] =	sst s0;
	s0 =	simm.s32 @!p2 $0x0  }
0x16: {  	s3 =	sld [smem:$0x3FDB];
	s0 =	simm.s32 @p2 $0x1  }
0x17: {  	s4 =	simm.s32 $0x1BF5;
	[smem:$0x3FB9] =	sst s0  }
0x18: {  	s0 =	sld [smem:$0x3F9C];
	_ =	swait.ge [sflag:s4], $0x0  }
0x19: {  	s7 =	sld [smem:$0x3F9D]  }
0x1a: {  	s8 =	sadd.s32 $0xFFFFE003, lr  }
0x1b: {  	s9 =	sadd.s32 $0xFFFFFEF7, lr;
	s5 =	simm.s32 $0xFFFFFFFF;
	p2 =	slt.u32 s8, $0xFFFFF086  }
0x1c: {  	p1 =	slt.u32 s9, $0xF7A;
	s5 =	simm.s32 @!p2 $0x0  }
0x1d: {  	s5 =	simm.s32 @p1 $0x1;
	p0 =	seq.s32 s7, s2  }
0x1e: {  	s7 =	smul.u32 @!p0 $0xF7A, s2;
	p2 =	seq.s32 @!p0 s5, $0x0  }
0x1f: {  	s9 =	smul.u32 $0xF7A, s1;
	s8 =	simm.s32 @!p0 $0x1BF5;
	p2 =	por !p2, p0  }
0x20: {  	[sflag:s8] =	ssyncset.s32 @!p0 $0xFFFFF086;
	s6 =	sadd.s32 @!p0 s3, s7;
	s7 =	simm.s32 @!p0 $0x108  }
0x21: {  	s3 =	sadd.s32 s3, s9;
	s6 =	sadd.s32 @!p0 $0x88, s6;
	s7 =	simm.s32 @p2 $0x1082  }
0x22: {  	[simem:s7], [sflag:s8] =	dma.local @!p0 [hbm:s6], $0xF7A  }
0x23: {  	s9 =	sor.u32 $0xD0000000, s2;
	s6 =	simm.s32 $0x108;
	_ =	swait.ge @!p0 [sflag:s8], $0x0  }
0x24: {  	s3 =	sadd.s32 $0x88, s3;
	s6 =	simm.s32 @!p1 $0x1082;
	[sflag:s4] =	ssyncset.s32 $0xFFFFF086  }
0x25: {  	[simem:s6], [sflag:s4] =	dma.local [hbm:s3], $0xF7A  }
0x26: {  	[smem:$0x3F9D] =	sst s1;
	(tag) =	ssettag s2;
	_ =	strace s9  }
0x27: {  	s1 =	sld [smem:$0x3FAD]  }
0x28: {  	s2 =	sld [smem:$0x3FAE]  }
0x29: {  	s4 =	sld [smem:$0x3FB0]  }
0x2a: {  	p0 =	seq.s32 s5, $0x0;
	s5 =	sld [smem:$0x3FB1]  }
0x2b: {  	s6 =	sld [smem:$0x3FB2]  }
0x2c: {  	s7 =	sld [smem:$0x3FB3]  }
0x2d: {  	s3 =	simm.s32 $0x108;
	s8 =	sld [smem:$0x3FB4]  }
0x2e: {  	s3 =	simm.s32 @!p0 $0x1082;
	s9 =	sld [smem:$0x3FB5]  }
0x2f: {  	lr =	sadd.s32 s0, s3;
	s0 =	sld [smem:$0x3FAC]  }
0x30: {  	s3 =	sld [smem:$0x3FAF]  }
0x31: {  	[smem:$0x3FB8] =	sst s10  }
0x32: {  	s10 =	sld [smem:$0x3FB6];
	_ =	sdelay $0x3  }
0x33: {  	p0 =	seq.s32 s10, $0x1;
	s10 =	sld [smem:$0x3FB8];
	_ =	sdelay $0x3  }
0x34: {  	[smem:$0x3FB8] =	sst s10  }
0x35: {  	s10 =	sld [smem:$0x3FB7];
	_ =	sdelay $0x3  }
0x36: {  	p1 =	seq.s32 s10, $0x1;
	s10 =	sld [smem:$0x3FB8];
	_ =	sdelay $0x3  }
0x37: {  	[smem:$0x3FB8] =	sst s10  }
0x38: {  	s10 =	sld [smem:$0x3FB9]  }
0x39: {  	_ = 	snop;
	(pc) =	sbr.ind lr, $3  }
0x3a: {  	_ = 	snop  }
0x3b: {  	_ = 	snop  }
0x3c: {  	p2 =	seq.s32 s10, $0x1;
	s10 =	sld [smem:$0x3FB8]  }
0x3d: {  	_ =	shalt  }
0x3e: {  	_ =	shalt  }
0x3f: {  	_ =	shalt  }
0x40: {  	_ =	shalt  }
0x41: {  	_ =	shalt  }
0x42: {  	_ =	shalt  }
0x43: {  	_ =	shalt  }
0x44: {  	_ =	shalt  }
0x45: {  	_ =	shalt  }
0x46: {  	_ =	shalt  }
0x47: {  	_ =	shalt  }
0x48: {  	_ =	shalt  }
0x49: {  	_ =	shalt  }
0x4a: {  	_ =	shalt  }
0x4b: {  	_ =	shalt  }
0x4c: {  	_ =	shalt  }
0x4d: {  	_ =	shalt  }
0x4e: {  	_ =	shalt  }
0x4f: {  	_ =	shalt  }
0x50: {  	_ =	shalt  }
0x51: {  	_ =	shalt  }
0x52: {  	_ =	shalt  }
0x53: {  	_ =	shalt  }
0x54: {  	_ =	shalt  }
0x55: {  	_ =	shalt  }
0x56: {  	_ =	shalt  }
0x57: {  	_ =	shalt  }
0x58: {  	_ =	shalt  }
0x59: {  	_ =	shalt  }
0x5a: {  	_ =	shalt  }
0x5b: {  	_ =	shalt  }
0x5c: {  	_ =	shalt  }
0x5d: {  	_ =	shalt  }
0x5e: {  	_ =	shalt  }
0x5f: {  	_ =	shalt  }
0x60: {  	_ =	shalt  }
0x61: {  	_ =	shalt  }
0x62: {  	_ =	shalt  }
0x63: {  	_ =	shalt  }
0x64: {  	_ =	shalt  }
0x65: {  	_ =	shalt  }
0x66: {  	_ =	shalt  }
0x67: {  	_ =	shalt  }
0x68: {  	_ =	shalt  }
0x69: {  	_ =	shalt  }
0x6a: {  	_ =	shalt  }
0x6b: {  	_ =	shalt  }
0x6c: {  	_ =	shalt  }
0x6d: {  	_ =	shalt  }
0x6e: {  	_ =	shalt  }
0x6f: {  	_ =	shalt  }
0x70: {  	_ =	shalt  }
0x71: {  	_ =	shalt  }
0x72: {  	_ =	shalt  }
0x73: {  	_ =	shalt  }
0x74: {  	_ =	shalt  }
0x75: {  	_ =	shalt  }
0x76: {  	_ =	shalt  }
0x77: {  	_ =	shalt  }
0x78: {  	_ =	shalt  }
0x79: {  	_ =	shalt  }
0x7a: {  	_ =	shalt  }
0x7b: {  	_ =	shalt  }
0x7c: {  	_ =	shalt  }
0x7d: {  	_ =	shalt  }
0x7e: {  	_ =	shalt  }
0x7f: {  	_ =	shalt  }
0x80: {  	_ =	shalt  }
0x81: {  	_ =	shalt  }
0x82: {  	_ =	shalt  }
0x83: {  	_ =	shalt  }
0x84: {  	_ =	shalt  }
0x85: {  	_ =	shalt  }
0x86: {  	_ =	shalt  }
0x87: {  	_ =	shalt  }
.Lfunc_end0:
.L_simem_size_0:
called_computation_lowered:
.L_overlay_start_0:
0x88: {  	s2 =	sld [smem:$0x3FD9]  }
0x89: {  	s3 =	sld [smem:$0x3FFE];
	_ =	sdelay $0x1  }
0x8a: {  	s1 =	srdreg.scid  }
0x8b: {  	s0 =	sand.u32 $0x1, s1  }
0x8c: {  	s16 =	sshll.u32 s0, $0xA;
	s2 =	sadd.s32 s3, s2  }
0x8d: {  	s2 =	sadd.s32 s2, s16  }
0x8e: {  	[smem:$0x3FC4] =	sst s2  }
0x8f: {  	_ = 	snop  }
0x90: {  	(tm) =	ssettm $0x1  }
0x91: {  	s17 =	sld [smem:$0x3FFB];
	_ =	sdelay $0x3  }
0x92: {  	_ =	strace s17  }
0x93: {  	s2 =	sld [smem:$0x3FFC];
	_ =	sdelay $0x3  }
0x94: {  	_ =	strace s2  }
0x95: {  	s2 =	sld [smem:$0x3FFD];
	_ =	sdelay $0x3  }
0x96: {  	_ =	strace s2  }
0x97: {  	_ =	strace $0x8FFFFFFF  }
0x98: {  	s18 =	sld [smem:$0x3FDB];
	_ =	sdelay $0x1  }
0x99: {  	s19 =	simm.s32 $_scs_section_size  }
0x9a: {  	s4 =	simm.s32 $_size__tile_overlayer_lowered;
	s5 =	simm.s32 $_tile_overlayer_lowered  }
0x9b: {  	s22 =	simm.s32 $0x1BFF;
	s21 =	sshll.u32 s5, $0x1;
	s2 =	sadd.s32 s19, s18  }
0x9c: {  	s6 =	simm.s32 $0x0;
	s20 =	sshll.u32 s4, $0x1;
	s4 =	sadd.s32 s21, s2  }
0x9d: {  	[timem:s6], [sflag:s22] =	dma.local [hbm:s4], s20  }
0x9e: {  	_ =	swait.ge [sflag:s22], s20  }
0x9f: {  	s3 =	ssub.s32 $0x0, s20;
	[sflag:s22] =	ssyncset.done $0x0  }
0xa0: {  	[sflag:s22] =	ssyncadd.s32 s3;
	_ =	sdelay $0x1  }
0xa1: {  	s23 =	simm.s32 $0x1B8B  }
0xa2: {  	_ =	swait.ge [sflag:s23], $0x1  }
0xa3: {  	[sflag:s23] =	ssyncset.done $0x0  }
0xa4: {  	s25 =	simm.s32 $0x1B8E;
	s24 =	sld [smem:$0x3FFE];
	[sflag:s23] =	ssyncadd.s32 $0xFFFFFFFF  }
0xa5: {  	s26 =	simm.s32 $execute0_lowered;
	[smem:$0x3FD2] =	sst s25  }
0xa6: {  	s4 =	sshll.u32 s26, $0x1;
	_ =	strace $0x80000046;
	[dreg:$0x1] =	wrdreg $0xFFFFFFFF  }
0xa7: {  	s28 =	simm.s32 $_size_execute0_lowered;
	s2 =	sadd.s32 s2, s4;
	[dreg:$0x0] =	wrdreg $0x0  }
0xa8: {  	s4 =	sshll.u32 s28, $0x1;
	[dreg:$0x2] =	wrdreg s2  }
0xa9: {  	[dreg:$0x3] =	wrdreg s4  }
0xaa: {  	[dreg:$0x4] =	wrdreg $0xC0  }
0xab: {  	_ =	task [dreg:s6], $0x5FFFF  }
0xac: {  	[dreg:$0x1] =	wrdreg $0xFFFFFFFF  }
0xad: {  	[dreg:$0x0] =	wrdreg $0x60  }
0xae: {  	[dreg:$0x2] =	wrdreg s24  }
0xaf: {  	[dreg:$0x3] =	wrdreg $0x9  }
0xb0: {  	_ =	task.clear_ibuf [dreg:s6], $0x4FFFF;
	_ =	strace $0x90000046  }
0xb1: {  	s29 =	simm.s32 $0x9;
	_ =	strace $0x80000048  }
0xb2: {  	_ =	swait.ge [sflag:s29], $0x1  }
0xb3: {  	[sflag:s29] =	ssyncadd.s32 $0xFFFFFFFF  }
0xb4: {  	_ =	strace $0x90000048  }
0xb5: {  	_ =	sfence  }
0xb6: {  	s30 =	sld [smem:$0x0];
	_ =	sdelay $0x2  }
0xb7: {  	s31 =	sshll.u32 s1, $0xD;
	s1 =	sshrl.u32 s1, $0x2  }
0xb8: {  	s3 =	sand.u32 $0x4000, s31;
	s1 =	sadd.s32 s1, s30  }
0xb9: {  	s0 =	sor.u32 s3, s0;
	s1 =	sshll.u32 s1, $0x11  }
0xba: {  	s0 =	sor.u32 s1, s0  }
0xbb: {  	s0 =	sadd.s32 $0x8F2B, s0  }
0xbc: {  	[sflag:s0] =	ssyncadd.remote.s32 $0x1  }
0xbd: {  	_ =	sfence.sel $0xFFFF  }
0xbe: {  	[dreg:$0x0] =	wrdreg $0xFFFFFFFF;
	(pc) =	sbr.abs _section_cstart, $3  }
0xbf: {  	[dreg:$0x1] =	wrdreg $0xFFFFFFFF  }
0xc0: {  	_ =	task.clear_ibuf [dreg:s6], $0x2FFFF;
	_ =	strace $0x9FFFFFFF  }
0xc1: {  	(tm) =	ssettm $0x7FFFFFFF  }
tec
execute0_lowered:
.L_overlay_start_1:
0x0: {  	(tag) =	ssettag $0x1  }
0x1: {  	s0 =	rddreg [dreg:$0x0];
	s2 =	simm.s32 $0x0;
	s1 =	srdreg.scid  }
0x2: {  	s3 =	stileid.u32;
	s10 =	simm.s32 $0x3;
	s11 =	simm.s32 $0x64  }
0x3: {  	s28 =	simm.s32 $0x1;
	s29 =	simm.s32 $0x340;
	s31 =	simm.s32 $0x3A8  }
0x4: {  	s12 =	simm.s32 $0x10080;
	s13 =	simm.s32 $0x478;
	s14 =	simm.s32 $0x11980  }
0x5: {  	s15 =	simm.s32 $0x4E0;
	s16 =	simm.s32 $0x13280;
	s17 =	simm.s32 $0x548  }
0x6: {  	s18 =	simm.s32 $0x14B80;
	s19 =	simm.s32 $0x5B0;
	s20 =	simm.s32 $0x16480  }
0x7: {  	s21 =	simm.s32 $0x618;
	s22 =	simm.s32 $0x17D80;
	s23 =	simm.s32 $0x19680  }
0x8: {  	s24 =	simm.s32 $0x2;
	s9 =	simm.s32 $0x0;
	[smem:$0x7FF] =	sst s2  }
0x9: {  	s1 =	sand.u32 $0x1, s1;
	s4 =	sshll.u32 s3, $0x1;
	s3 =	sadd.s32 $0xA00, s0  }
0xa: {  	_ =	strace $0x80000047;
	s5 =	sor.u32 s1, s4;
	s1 =	ssub.s32 $0x2, s1  }
0xb: {  	s4 =	sadd.s32 $0xF42E00, s0;
	s6 =	sshll.u32 s5, $0xA;
	s8 =	smul.u32 $0xD00, s5  }
0xc: {  	s7 =	sshrl.u32 s1, $0x1;
	s5 =	sshll.u32 s5, $0x5;
	s0 =	sadd.s32 s6, s0  }
0xd: {  	s1 =	ssub.s32 s1, s7;
	s26 =	sadd.s32 s3, s8;
	s7 =	sadd.s32 $0x1AA00, s0  }
0xe: {  	s8 =	sor.u32 $0x2, s5;
	s30 =	smax.u32 s1, $0x1;
	[dreg:$0x2] =	wrdreg s26  }
0xf: {  	s0 =	simm.s32 $0xE780;
	s1 =	simm.s32 $0x410;
	[dreg:$0x3] =	wrdreg s30  }
.LBB2_1:
0x10: {  	[dreg:$0x4] =	wrdreg s9  }
0x11: {  	s6 =	rddreg [dreg:$0x2]  }
0x12: {  	[tilespmem:s2], [sflag:$0x3] =	stream.linear.gather [hbm4b:s6+s2], $0x340, $0x38;
	[tilespmem:$0x19780] =	vst v63  }
0x13: {  	_ =	swait.ge [sflag:s10], $0x340  }
0x14: {  	[sflag:s10] =	ssyncset.done $0x0  }
0x15: {  	s25 =	simm.s32 $0x680;
	[sflag:s10] =	ssyncadd.s32 $0xFFFFFCC0  }
0x16: {  	[tilespmem:s25], [sflag:$0x1] =	stream.indirect.gather [hbm4b:s4+s11], $0x40, s2, s11, $0xb8;
	[tilespmem:$0x19780] =	vst v63  }
0x17: {  	s26 =	simm.s32 $0x68;
	s30 =	simm.s32 $0x1F80  }
0x18: {  	[tilespmem:s30], [sflag:$0x1] =	stream.indirect.gather [hbm4b:s4+s11], $0x40, s26, s11, $0xb8;
	[tilespmem:$0x19780] =	vst v63  }
0x19: {  	s9 =	simm.s32 $0xD0;
	s25 =	simm.s32 $0x3880  }
0x1a: {  	[tilespmem:s25], [sflag:$0x1] =	stream.indirect.gather [hbm4b:s4+s11], $0x40, s9, s11, $0xb8;
	[tilespmem:$0x19780] =	vst v63  }
0x1b: {  	s26 =	simm.s32 $0x138;
	s30 =	simm.s32 $0x5180  }
0x1c: {  	[tilespmem:s30], [sflag:$0x1] =	stream.indirect.gather [hbm4b:s4+s11], $0x40, s26, s11, $0xb8;
	[tilespmem:$0x19780] =	vst v63  }
0x1d: {  	s9 =	simm.s32 $0x1A0;
	s25 =	simm.s32 $0x6A80  }
0x1e: {  	[tilespmem:s25], [sflag:$0x1] =	stream.indirect.gather [hbm4b:s4+s11], $0x40, s9, s11, $0xb8;
	[tilespmem:$0x19780] =	vst v63  }
0x1f: {  	s26 =	simm.s32 $0x208;
	s30 =	simm.s32 $0x8380  }
0x20: {  	[tilespmem:s30], [sflag:$0x1] =	stream.indirect.gather [hbm4b:s4+s11], $0x40, s26, s11, $0xb8;
	[tilespmem:$0x19780] =	vst v63  }
0x21: {  	s9 =	simm.s32 $0x270;
	s25 =	simm.s32 $0x9C80  }
0x22: {  	[tilespmem:s25], [sflag:$0x1] =	stream.indirect.gather [hbm4b:s4+s11], $0x40, s9, s11, $0xb8;
	[tilespmem:$0x19780] =	vst v63  }
0x23: {  	s26 =	simm.s32 $0x2D8;
	s30 =	simm.s32 $0xB580  }
0x24: {  	[tilespmem:s30], [sflag:$0x1] =	stream.indirect.gather [hbm4b:s4+s11], $0x40, s26, s11, $0xb8;
	[tilespmem:$0x19780] =	vst v63  }
0x25: {  	s26 =	simm.s32 $0x0  }
.LBB2_2:
0x26: {  	s6 =	sshllo.u32 s26, $0x1  }
0x27: {  	s9 =	sadd.s32 s5, s6  }
0x28: {  	_ =	swait.ge [sflag:s28], $0xC800;
	s9 =	smul.u32 $0x68, s9  }
0x29: {  	[sflag:s28] =	ssyncset.done $0x0  }
0x2a: {  	s25 =	simm.s32 $0x0;
	[sflag:s28] =	ssyncadd.s32 $0xFFFF3800;
	s9 =	sadd.s32 s3, s9  }
0x2b: {  	[tilespmem:s29], [sflag:$0x3] =	stream.linear.gather [hbm4b:s9+s25], $0x340, $0x38;
	[tilespmem:$0x19780] =	vst v63  }
0x2c: {  	_ =	swait.ge [sflag:s10], $0x340  }
0x2d: {  	[sflag:s10] =	ssyncset.done $0x0  }
0x2e: {  	s25 =	simm.s32 $0xCE80;
	[sflag:s10] =	ssyncadd.s32 $0xFFFFFCC0  }
0x2f: {  	[tilespmem:s25], [sflag:$0x2] =	stream.indirect.gather [hbm4b:s4+s11], $0x40, s29, s11, $0xb8;
	[tilespmem:$0x19780] =	vst v63  }
0x30: {  	_ = 	snop  }
0x31: {  	[tilespmem:s0], [sflag:$0x2] =	stream.indirect.gather [hbm4b:s4+s11], $0x40, s31, s11, $0xb8;
	[tilespmem:$0x19780] =	vst v63  }
0x32: {  	_ = 	snop  }
0x33: {  	[tilespmem:s12], [sflag:$0x2] =	stream.indirect.gather [hbm4b:s4+s11], $0x40, s1, s11, $0xb8;
	[tilespmem:$0x19780] =	vst v63  }
0x34: {  	_ = 	snop  }
0x35: {  	[tilespmem:s14], [sflag:$0x2] =	stream.indirect.gather [hbm4b:s4+s11], $0x40, s13, s11, $0xb8;
	[tilespmem:$0x19780] =	vst v63  }
0x36: {  	_ = 	snop  }
0x37: {  	[tilespmem:s16], [sflag:$0x2] =	stream.indirect.gather [hbm4b:s4+s11], $0x40, s15, s11, $0xb8;
	[tilespmem:$0x19780] =	vst v63  }
0x38: {  	_ = 	snop  }
0x39: {  	[tilespmem:s18], [sflag:$0x2] =	stream.indirect.gather [hbm4b:s4+s11], $0x40, s17, s11, $0xb8;
	[tilespmem:$0x19780] =	vst v63  }
0x3a: {  	_ = 	snop  }
0x3b: {  	[tilespmem:s20], [sflag:$0x2] =	stream.indirect.gather [hbm4b:s4+s11], $0x40, s19, s11, $0xb8;
	[tilespmem:$0x19780] =	vst v63  }
0x3c: {  	s25 =	simm.s32 $0x0  }
0x3d: {  	[tilespmem:s22], [sflag:$0x2] =	stream.indirect.gather [hbm4b:s4+s11], $0x40, s21, s11, $0xb8;
	[tilespmem:$0x19780] =	vst v63  }
0x3e: {  	v1 =	vld [tilespmem:s25+$0x6C0]  }
0x3f: {  	v0 =	vld [tilespmem:s25+$0x6D0]  }
0x40: {  	v2 =	vld [tilespmem:s25+$0x680]  }
0x41: {  	v4 =	vimm.f32 $0.0e+00;
	v3 =	vld [tilespmem:s25+$0x690]  }
0x42: {  	s30 =	simm.s32 $0x200;
	v6 =	vimm.f32 $0.0e+00;
	v8 =	vimm.f32 $0.0e+00;
	v7 =	vimm.f32 $0.0e+00;
	s9 =	sshll.u32 s26, $0x1;
	v5 =	vld [tilespmem:s25+$0x6A0]  }
.LBB2_3:
0x43: {  	p0 =	sne.s32 s30, $0xC600;
	v9 =	vld [tilespmem:s25+$0x6B0];
	v10 =	vmov v1  }
0x44: {  	v11 =	vld [tilespmem:s25+$0x6E0];
	v12 =	vmov v0  }
0x45: {  	v13 =	vld [tilespmem:s25+$0x6F0];
	s25 =	sshra.s32 s30, $0x2  }
.Ltmp0:
0x46: {  	v1 =	vld [tilespmem:s25+$0x6C0];
	(pc) =	sbr.rel @p0 .LBB2_3-.Ltmp0, $4  }
0x47: {  	v4 =	vadd.f32 v2, v4;
	v6 =	vadd.f32 v3, v6;
	v0 =	vld [tilespmem:s25+$0x6D0]  }
0x48: {  	v8 =	vadd.f32 v5, v8;
	v2 =	vld [tilespmem:s25+$0x680];
	v7 =	vadd.f32 v9, v7  }
0x49: {  	v4 =	vadd.f32 v10, v4;
	v6 =	vadd.f32 v12, v6;
	v3 =	vld [tilespmem:s25+$0x690]  }
0x4a: {  	s30 =	sadd.s32 $0x200, s30;
	v8 =	vadd.f32 v11, v8;
	v5 =	vld [tilespmem:s25+$0x6A0];
	v7 =	vadd.f32 v13, v7  }
0x4b: {  	v9 =	vld [tilespmem:s25+$0x6B0]  }
0x4c: {  	v10 =	vld [tilespmem:s25+$0x6E0]  }
0x4d: {  	v11 =	vld [tilespmem:s25+$0x6F0];
	v2 =	vadd.f32 v2, v4  }
0x4e: {  	v3 =	vadd.f32 v3, v6  }
0x4f: {  	v4 =	vadd.f32 v5, v8;
	v1 =	vadd.f32 v1, v2  }
0x50: {  	v2 =	vadd.f32 v9, v7;
	v0 =	vadd.f32 v0, v3  }
0x51: {  	v3 =	vadd.f32 v10, v4;
	v1 =	vmul.f32 $4.999999890e-03, v1  }
0x52: {  	v2 =	vadd.f32 v11, v2;
	v0 =	vmul.f32 $4.999999890e-03, v0  }
0x53: {  	[tilespmem:$0x19680] =	vst v1;
	v1 =	vmul.f32 $4.999999890e-03, v3  }
0x54: {  	[tilespmem:$0x19690] =	vst v0;
	v0 =	vmul.f32 $4.999999890e-03, v2  }
0x55: {  	[tilespmem:$0x196A0] =	vst v1  }
0x56: {  	s25 =	simm.s32 $0x0;
	[tilespmem:$0x196B0] =	vst v0  }
0x57: {  	v1 =	vld [tilespmem:s25+$0x38C0]  }
0x58: {  	v0 =	vld [tilespmem:s25+$0x38D0]  }
0x59: {  	v2 =	vld [tilespmem:s25+$0x3880]  }
0x5a: {  	v6 =	vimm.f32 $0.0e+00;
	v3 =	vld [tilespmem:s25+$0x3890]  }
0x5b: {  	s30 =	simm.s32 $0x200;
	v5 =	vimm.f32 $0.0e+00;
	v8 =	vimm.f32 $0.0e+00;
	v7 =	vimm.f32 $0.0e+00;
	v4 =	vld [tilespmem:s25+$0x38A0]  }
.LBB2_5:
0x5c: {  	p0 =	sne.s32 s30, $0xC600;
	v9 =	vld [tilespmem:s25+$0x38B0];
	v10 =	vmov v1  }
0x5d: {  	v11 =	vld [tilespmem:s25+$0x38E0];
	v12 =	vmov v0  }
0x5e: {  	v13 =	vld [tilespmem:s25+$0x38F0];
	s25 =	sshra.s32 s30, $0x2  }
.Ltmp1:
0x5f: {  	v1 =	vld [tilespmem:s25+$0x38C0];
	(pc) =	sbr.rel @p0 .LBB2_5-.Ltmp1, $4  }
0x60: {  	v5 =	vadd.f32 v2, v5;
	v6 =	vadd.f32 v3, v6;
	v0 =	vld [tilespmem:s25+$0x38D0]  }
0x61: {  	v8 =	vadd.f32 v4, v8;
	v2 =	vld [tilespmem:s25+$0x3880];
	v7 =	vadd.f32 v9, v7  }
0x62: {  	v5 =	vadd.f32 v10, v5;
	v6 =	vadd.f32 v12, v6;
	v3 =	vld [tilespmem:s25+$0x3890]  }
0x63: {  	s30 =	sadd.s32 $0x200, s30;
	v8 =	vadd.f32 v11, v8;
	v4 =	vld [tilespmem:s25+$0x38A0];
	v7 =	vadd.f32 v13, v7  }
0x64: {  	v9 =	vld [tilespmem:s25+$0x38B0]  }
0x65: {  	v10 =	vld [tilespmem:s25+$0x38E0]  }
0x66: {  	v11 =	vld [tilespmem:s25+$0x38F0];
	v2 =	vadd.f32 v2, v5  }
0x67: {  	v3 =	vadd.f32 v3, v6  }
0x68: {  	v4 =	vadd.f32 v4, v8;
	v1 =	vadd.f32 v1, v2  }
0x69: {  	v2 =	vadd.f32 v9, v7;
	v0 =	vadd.f32 v0, v3  }
0x6a: {  	v3 =	vadd.f32 v10, v4;
	v1 =	vmul.f32 $4.999999890e-03, v1  }
0x6b: {  	v2 =	vadd.f32 v11, v2;
	v0 =	vmul.f32 $4.999999890e-03, v0  }
0x6c: {  	[tilespmem:$0x196C0] =	vst v1;
	v1 =	vmul.f32 $4.999999890e-03, v3  }
0x6d: {  	[tilespmem:$0x196D0] =	vst v0;
	v0 =	vmul.f32 $4.999999890e-03, v2  }
0x6e: {  	[tilespmem:$0x196E0] =	vst v1  }
0x6f: {  	s25 =	simm.s32 $0x0;
	[tilespmem:$0x196F0] =	vst v0  }
0x70: {  	v1 =	vld [tilespmem:s25+$0x6AC0]  }
0x71: {  	v0 =	vld [tilespmem:s25+$0x6AD0]  }
0x72: {  	v2 =	vld [tilespmem:s25+$0x6A80]  }
0x73: {  	v5 =	vimm.f32 $0.0e+00;
	v3 =	vld [tilespmem:s25+$0x6A90]  }
0x74: {  	s30 =	simm.s32 $0x200;
	v6 =	vimm.f32 $0.0e+00;
	v8 =	vimm.f32 $0.0e+00;
	v7 =	vimm.f32 $0.0e+00;
	v4 =	vld [tilespmem:s25+$0x6AA0]  }
.LBB2_7:
0x75: {  	p0 =	sne.s32 s30, $0xC600;
	v9 =	vld [tilespmem:s25+$0x6AB0];
	v10 =	vmov v1  }
0x76: {  	v11 =	vld [tilespmem:s25+$0x6AE0];
	v12 =	vmov v0  }
0x77: {  	v13 =	vld [tilespmem:s25+$0x6AF0];
	s25 =	sshra.s32 s30, $0x2  }
.Ltmp2:
0x78: {  	v1 =	vld [tilespmem:s25+$0x6AC0];
	(pc) =	sbr.rel @p0 .LBB2_7-.Ltmp2, $4  }
0x79: {  	v5 =	vadd.f32 v2, v5;
	v6 =	vadd.f32 v3, v6;
	v0 =	vld [tilespmem:s25+$0x6AD0]  }
0x7a: {  	v8 =	vadd.f32 v4, v8;
	v2 =	vld [tilespmem:s25+$0x6A80];
	v7 =	vadd.f32 v9, v7  }
0x7b: {  	v5 =	vadd.f32 v10, v5;
	v6 =	vadd.f32 v12, v6;
	v3 =	vld [tilespmem:s25+$0x6A90]  }
0x7c: {  	s30 =	sadd.s32 $0x200, s30;
	v8 =	vadd.f32 v11, v8;
	v4 =	vld [tilespmem:s25+$0x6AA0];
	v7 =	vadd.f32 v13, v7  }
0x7d: {  	v9 =	vld [tilespmem:s25+$0x6AB0]  }
0x7e: {  	v10 =	vld [tilespmem:s25+$0x6AE0]  }
0x7f: {  	v11 =	vld [tilespmem:s25+$0x6AF0];
	v2 =	vadd.f32 v2, v5  }
0x80: {  	v3 =	vadd.f32 v3, v6  }
0x81: {  	v4 =	vadd.f32 v4, v8;
	v1 =	vadd.f32 v1, v2  }
0x82: {  	v2 =	vadd.f32 v9, v7;
	v0 =	vadd.f32 v0, v3  }
0x83: {  	v3 =	vadd.f32 v10, v4;
	v1 =	vmul.f32 $4.999999890e-03, v1  }
0x84: {  	v2 =	vadd.f32 v11, v2;
	v0 =	vmul.f32 $4.999999890e-03, v0  }
0x85: {  	[tilespmem:$0x19700] =	vst v1;
	v1 =	vmul.f32 $4.999999890e-03, v3  }
0x86: {  	[tilespmem:$0x19710] =	vst v0;
	v0 =	vmul.f32 $4.999999890e-03, v2  }
0x87: {  	[tilespmem:$0x19720] =	vst v1  }
0x88: {  	s25 =	simm.s32 $0x0;
	[tilespmem:$0x19730] =	vst v0  }
0x89: {  	v1 =	vld [tilespmem:s25+$0x9CC0]  }
0x8a: {  	v0 =	vld [tilespmem:s25+$0x9CD0]  }
0x8b: {  	v2 =	vld [tilespmem:s25+$0x9C80]  }
0x8c: {  	v5 =	vimm.f32 $0.0e+00;
	v3 =	vld [tilespmem:s25+$0x9C90]  }
0x8d: {  	s30 =	simm.s32 $0x200;
	v6 =	vimm.f32 $0.0e+00;
	v8 =	vimm.f32 $0.0e+00;
	v7 =	vimm.f32 $0.0e+00;
	v4 =	vld [tilespmem:s25+$0x9CA0]  }
.LBB2_9:
0x8e: {  	p0 =	sne.s32 s30, $0xC600;
	v9 =	vld [tilespmem:s25+$0x9CB0];
	v10 =	vmov v1  }
0x8f: {  	v11 =	vld [tilespmem:s25+$0x9CE0];
	v12 =	vmov v0  }
0x90: {  	v13 =	vld [tilespmem:s25+$0x9CF0];
	s25 =	sshra.s32 s30, $0x2  }
.Ltmp3:
0x91: {  	v1 =	vld [tilespmem:s25+$0x9CC0];
	(pc) =	sbr.rel @p0 .LBB2_9-.Ltmp3, $4  }
0x92: {  	v5 =	vadd.f32 v2, v5;
	v6 =	vadd.f32 v3, v6;
	v0 =	vld [tilespmem:s25+$0x9CD0]  }
0x93: {  	v8 =	vadd.f32 v4, v8;
	v2 =	vld [tilespmem:s25+$0x9C80];
	v7 =	vadd.f32 v9, v7  }
0x94: {  	v5 =	vadd.f32 v10, v5;
	v6 =	vadd.f32 v12, v6;
	v3 =	vld [tilespmem:s25+$0x9C90]  }
0x95: {  	s30 =	sadd.s32 $0x200, s30;
	v8 =	vadd.f32 v11, v8;
	v4 =	vld [tilespmem:s25+$0x9CA0];
	v7 =	vadd.f32 v13, v7  }
0x96: {  	v9 =	vld [tilespmem:s25+$0x9CB0]  }
0x97: {  	v10 =	vld [tilespmem:s25+$0x9CE0]  }
0x98: {  	v11 =	vld [tilespmem:s25+$0x9CF0];
	v2 =	vadd.f32 v2, v5  }
0x99: {  	v3 =	vadd.f32 v3, v6  }
0x9a: {  	v4 =	vadd.f32 v4, v8;
	v1 =	vadd.f32 v1, v2  }
0x9b: {  	v2 =	vadd.f32 v9, v7;
	v0 =	vadd.f32 v0, v3  }
0x9c: {  	v3 =	vadd.f32 v10, v4;
	v1 =	vmul.f32 $4.999999890e-03, v1  }
0x9d: {  	v2 =	vadd.f32 v11, v2;
	v0 =	vmul.f32 $4.999999890e-03, v0  }
0x9e: {  	[tilespmem:$0x19740] =	vst v1;
	v1 =	vmul.f32 $4.999999890e-03, v3  }
0x9f: {  	[tilespmem:$0x19750] =	vst v0;
	v0 =	vmul.f32 $4.999999890e-03, v2  }
0xa0: {  	s30 =	sshll.u32 s26, $0x6;
	[tilespmem:$0x19760] =	vst v1  }
0xa1: {  	s25 =	sadd.s32 s30, s7;
	[tilespmem:$0x19770] =	vst v0  }
0xa2: {  	[hbm4b:s25+s2] =	stream.linear.scatter [tilespmem:s23], [sflag:$0x3], $0x100, $0x38;
	[tilespmem:$0x19780] =	vst v63  }
0xa3: {  	_ =	swait.ge [sflag:s10], $0x100  }
0xa4: {  	p0 =	seq.s32 s26, $0xF;
	[sflag:s10] =	ssyncset.done $0x0  }
0xa5: {  	s9 =	sadd.s32 @!p0 s9, s8;
	[sflag:s10] =	ssyncadd.s32 $0xFFFFFF00  }
0xa6: {  	s9 =	smul.u32 @!p0 $0x68, s9;
	_ =	swait.ge [sflag:s24], $0xC800  }
0xa7: {  	[sflag:s24] =	ssyncset.done $0x0  }
0xa8: {  	s9 =	sadd.s32 @!p0 s3, s9;
	s25 =	simm.s32 @!p0 $0x0;
	[sflag:s24] =	ssyncadd.s32 $0xFFFF3800  }
0xa9: {  	[tilespmem:s25], [sflag:$0x3] =	stream.linear.gather @!p0 [hbm4b:s9+s25], $0x340, $0x38;
	[tilespmem:$0x19780] =	vst v63  }
0xaa: {  	s9 =	simm.s32 @!p0 $0x3  }
0xab: {  	_ =	swait.ge @!p0 [sflag:s9], $0x340  }
0xac: {  	[sflag:s9] =	ssyncset.done @!p0 $0x0  }
0xad: {  	s30 =	simm.s32 @!p0 $0x680;
	[sflag:s9] =	ssyncadd.s32 @!p0 $0xFFFFFCC0;
	s9 =	simm.s32 @!p0 $0x64  }
0xae: {  	[tilespmem:s30], [sflag:$0x1] =	stream.indirect.gather @!p0 [hbm4b:s4+s9], $0x40, s25, s9, $0xb8;
	[tilespmem:$0x19780] =	vst v63  }
0xaf: {  	s25 =	simm.s32 @!p0 $0x68;
	s30 =	simm.s32 @!p0 $0x1F80  }
0xb0: {  	[tilespmem:s30], [sflag:$0x1] =	stream.indirect.gather @!p0 [hbm4b:s4+s9], $0x40, s25, s9, $0xb8;
	[tilespmem:$0x19780] =	vst v63  }
0xb1: {  	s25 =	simm.s32 @!p0 $0xD0;
	s30 =	simm.s32 @!p0 $0x3880  }
0xb2: {  	[tilespmem:s30], [sflag:$0x1] =	stream.indirect.gather @!p0 [hbm4b:s4+s9], $0x40, s25, s9, $0xb8;
	[tilespmem:$0x19780] =	vst v63  }
0xb3: {  	s25 =	simm.s32 @!p0 $0x138;
	s30 =	simm.s32 @!p0 $0x5180  }
0xb4: {  	[tilespmem:s30], [sflag:$0x1] =	stream.indirect.gather @!p0 [hbm4b:s4+s9], $0x40, s25, s9, $0xb8;
	[tilespmem:$0x19780] =	vst v63  }
0xb5: {  	s25 =	simm.s32 @!p0 $0x1A0;
	s30 =	simm.s32 @!p0 $0x6A80  }
0xb6: {  	[tilespmem:s30], [sflag:$0x1] =	stream.indirect.gather @!p0 [hbm4b:s4+s9], $0x40, s25, s9, $0xb8;
	[tilespmem:$0x19780] =	vst v63  }
0xb7: {  	s25 =	simm.s32 @!p0 $0x208;
	s30 =	simm.s32 @!p0 $0x8380  }
0xb8: {  	[tilespmem:s30], [sflag:$0x1] =	stream.indirect.gather @!p0 [hbm4b:s4+s9], $0x40, s25, s9, $0xb8;
	[tilespmem:$0x19780] =	vst v63  }
0xb9: {  	s25 =	simm.s32 @!p0 $0x270;
	s30 =	simm.s32 @!p0 $0x9C80  }
0xba: {  	[tilespmem:s30], [sflag:$0x1] =	stream.indirect.gather @!p0 [hbm4b:s4+s9], $0x40, s25, s9, $0xb8;
	[tilespmem:$0x19780] =	vst v63  }
0xbb: {  	s25 =	simm.s32 @!p0 $0x2D8;
	s30 =	simm.s32 @!p0 $0xB580  }
0xbc: {  	[tilespmem:s30], [sflag:$0x1] =	stream.indirect.gather @!p0 [hbm4b:s4+s9], $0x40, s25, s9, $0xb8;
	[tilespmem:$0x19780] =	vst v63  }
0xbd: {  	s9 =	simm.s32 $0x0  }
0xbe: {  	v1 =	vld [tilespmem:s9+$0xCEC0]  }
0xbf: {  	v0 =	vld [tilespmem:s9+$0xCED0]  }
0xc0: {  	v2 =	vld [tilespmem:s9+$0xCE80]  }
0xc1: {  	v5 =	vimm.f32 $0.0e+00;
	v3 =	vld [tilespmem:s9+$0xCE90]  }
0xc2: {  	v6 =	vimm.f32 $0.0e+00;
	v8 =	vimm.f32 $0.0e+00;
	v7 =	vimm.f32 $0.0e+00;
	s25 =	simm.s32 $0x200;
	v4 =	vld [tilespmem:s9+$0xCEA0]  }
.LBB2_11:
0xc3: {  	p0 =	sne.s32 s25, $0xC600;
	v9 =	vld [tilespmem:s9+$0xCEB0];
	v10 =	vmov v1  }
0xc4: {  	v11 =	vld [tilespmem:s9+$0xCEE0];
	v12 =	vmov v0  }
0xc5: {  	v13 =	vld [tilespmem:s9+$0xCEF0];
	s9 =	sshra.s32 s25, $0x2  }
.Ltmp4:
0xc6: {  	v1 =	vld [tilespmem:s9+$0xCEC0];
	(pc) =	sbr.rel @p0 .LBB2_11-.Ltmp4, $4  }
0xc7: {  	v5 =	vadd.f32 v2, v5;
	v6 =	vadd.f32 v3, v6;
	v0 =	vld [tilespmem:s9+$0xCED0]  }
0xc8: {  	v8 =	vadd.f32 v4, v8;
	v2 =	vld [tilespmem:s9+$0xCE80];
	v7 =	vadd.f32 v9, v7  }
0xc9: {  	v5 =	vadd.f32 v10, v5;
	v6 =	vadd.f32 v12, v6;
	v3 =	vld [tilespmem:s9+$0xCE90]  }
0xca: {  	s25 =	sadd.s32 $0x200, s25;
	v8 =	vadd.f32 v11, v8;
	v4 =	vld [tilespmem:s9+$0xCEA0];
	v7 =	vadd.f32 v13, v7  }
0xcb: {  	v9 =	vld [tilespmem:s9+$0xCEB0]  }
0xcc: {  	v10 =	vld [tilespmem:s9+$0xCEE0]  }
0xcd: {  	v11 =	vld [tilespmem:s9+$0xCEF0];
	v2 =	vadd.f32 v2, v5  }
0xce: {  	v3 =	vadd.f32 v3, v6  }
0xcf: {  	v4 =	vadd.f32 v4, v8;
	v1 =	vadd.f32 v1, v2  }
0xd0: {  	v2 =	vadd.f32 v9, v7;
	v0 =	vadd.f32 v0, v3  }
0xd1: {  	v3 =	vadd.f32 v10, v4;
	v1 =	vmul.f32 $4.999999890e-03, v1  }
0xd2: {  	v2 =	vadd.f32 v11, v2;
	v0 =	vmul.f32 $4.999999890e-03, v0  }
0xd3: {  	[tilespmem:$0x19680] =	vst v1;
	v1 =	vmul.f32 $4.999999890e-03, v3  }
0xd4: {  	[tilespmem:$0x19690] =	vst v0;
	v0 =	vmul.f32 $4.999999890e-03, v2  }
0xd5: {  	[tilespmem:$0x196A0] =	vst v1  }
0xd6: {  	s9 =	simm.s32 $0x0;
	[tilespmem:$0x196B0] =	vst v0  }
0xd7: {  	v1 =	vld [tilespmem:s9+$0x100C0]  }
0xd8: {  	v0 =	vld [tilespmem:s9+$0x100D0]  }
0xd9: {  	v2 =	vld [tilespmem:s9+$0x10080]  }
0xda: {  	v5 =	vimm.f32 $0.0e+00;
	v3 =	vld [tilespmem:s9+$0x10090]  }
0xdb: {  	s25 =	simm.s32 $0x200;
	v6 =	vimm.f32 $0.0e+00;
	v8 =	vimm.f32 $0.0e+00;
	v7 =	vimm.f32 $0.0e+00;
	v4 =	vld [tilespmem:s9+$0x100A0]  }
.LBB2_13:
0xdc: {  	p0 =	sne.s32 s25, $0xC600;
	v9 =	vld [tilespmem:s9+$0x100B0];
	v10 =	vmov v1  }
0xdd: {  	v11 =	vld [tilespmem:s9+$0x100E0];
	v12 =	vmov v0  }
0xde: {  	v13 =	vld [tilespmem:s9+$0x100F0];
	s9 =	sshra.s32 s25, $0x2  }
.Ltmp5:
0xdf: {  	v1 =	vld [tilespmem:s9+$0x100C0];
	(pc) =	sbr.rel @p0 .LBB2_13-.Ltmp5, $4  }
0xe0: {  	v5 =	vadd.f32 v2, v5;
	v6 =	vadd.f32 v3, v6;
	v0 =	vld [tilespmem:s9+$0x100D0]  }
0xe1: {  	v8 =	vadd.f32 v4, v8;
	v2 =	vld [tilespmem:s9+$0x10080];
	v7 =	vadd.f32 v9, v7  }
0xe2: {  	v5 =	vadd.f32 v10, v5;
	v6 =	vadd.f32 v12, v6;
	v3 =	vld [tilespmem:s9+$0x10090]  }
0xe3: {  	s25 =	sadd.s32 $0x200, s25;
	v8 =	vadd.f32 v11, v8;
	v4 =	vld [tilespmem:s9+$0x100A0];
	v7 =	vadd.f32 v13, v7  }
0xe4: {  	v9 =	vld [tilespmem:s9+$0x100B0]  }
0xe5: {  	v10 =	vld [tilespmem:s9+$0x100E0]  }
0xe6: {  	v11 =	vld [tilespmem:s9+$0x100F0];
	v2 =	vadd.f32 v2, v5  }
0xe7: {  	v3 =	vadd.f32 v3, v6  }
0xe8: {  	v4 =	vadd.f32 v4, v8;
	v1 =	vadd.f32 v1, v2  }
0xe9: {  	v2 =	vadd.f32 v9, v7;
	v0 =	vadd.f32 v0, v3  }
0xea: {  	v3 =	vadd.f32 v10, v4;
	v1 =	vmul.f32 $4.999999890e-03, v1  }
0xeb: {  	v2 =	vadd.f32 v11, v2;
	v0 =	vmul.f32 $4.999999890e-03, v0  }
0xec: {  	[tilespmem:$0x196C0] =	vst v1;
	v1 =	vmul.f32 $4.999999890e-03, v3  }
0xed: {  	[tilespmem:$0x196D0] =	vst v0;
	v0 =	vmul.f32 $4.999999890e-03, v2  }
0xee: {  	[tilespmem:$0x196E0] =	vst v1  }
0xef: {  	s9 =	simm.s32 $0x0;
	[tilespmem:$0x196F0] =	vst v0  }
0xf0: {  	v1 =	vld [tilespmem:s9+$0x132C0]  }
0xf1: {  	v0 =	vld [tilespmem:s9+$0x132D0]  }
0xf2: {  	v2 =	vld [tilespmem:s9+$0x13280]  }
0xf3: {  	v5 =	vimm.f32 $0.0e+00;
	v3 =	vld [tilespmem:s9+$0x13290]  }
0xf4: {  	s25 =	simm.s32 $0x200;
	v6 =	vimm.f32 $0.0e+00;
	v8 =	vimm.f32 $0.0e+00;
	v7 =	vimm.f32 $0.0e+00;
	v4 =	vld [tilespmem:s9+$0x132A0]  }
.LBB2_15:
0xf5: {  	p0 =	sne.s32 s25, $0xC600;
	v9 =	vld [tilespmem:s9+$0x132B0];
	v10 =	vmov v1  }
0xf6: {  	v11 =	vld [tilespmem:s9+$0x132E0];
	v12 =	vmov v0  }
0xf7: {  	v13 =	vld [tilespmem:s9+$0x132F0];
	s9 =	sshra.s32 s25, $0x2  }
.Ltmp6:
0xf8: {  	v1 =	vld [tilespmem:s9+$0x132C0];
	(pc) =	sbr.rel @p0 .LBB2_15-.Ltmp6, $4  }
0xf9: {  	v5 =	vadd.f32 v2, v5;
	v6 =	vadd.f32 v3, v6;
	v0 =	vld [tilespmem:s9+$0x132D0]  }
0xfa: {  	v8 =	vadd.f32 v4, v8;
	v2 =	vld [tilespmem:s9+$0x13280];
	v7 =	vadd.f32 v9, v7  }
0xfb: {  	v5 =	vadd.f32 v10, v5;
	v6 =	vadd.f32 v12, v6;
	v3 =	vld [tilespmem:s9+$0x13290]  }
0xfc: {  	s25 =	sadd.s32 $0x200, s25;
	v8 =	vadd.f32 v11, v8;
	v4 =	vld [tilespmem:s9+$0x132A0];
	v7 =	vadd.f32 v13, v7  }
0xfd: {  	v9 =	vld [tilespmem:s9+$0x132B0]  }
0xfe: {  	v10 =	vld [tilespmem:s9+$0x132E0]  }
0xff: {  	v11 =	vld [tilespmem:s9+$0x132F0];
	v2 =	vadd.f32 v2, v5  }
0x100: {  	v3 =	vadd.f32 v3, v6  }
0x101: {  	v4 =	vadd.f32 v4, v8;
	v1 =	vadd.f32 v1, v2  }
0x102: {  	v2 =	vadd.f32 v9, v7;
	v0 =	vadd.f32 v0, v3  }
0x103: {  	v3 =	vadd.f32 v10, v4;
	v1 =	vmul.f32 $4.999999890e-03, v1  }
0x104: {  	v2 =	vadd.f32 v11, v2;
	v0 =	vmul.f32 $4.999999890e-03, v0  }
0x105: {  	[tilespmem:$0x19700] =	vst v1;
	v1 =	vmul.f32 $4.999999890e-03, v3  }
0x106: {  	[tilespmem:$0x19710] =	vst v0;
	v0 =	vmul.f32 $4.999999890e-03, v2  }
0x107: {  	[tilespmem:$0x19720] =	vst v1  }
0x108: {  	s9 =	simm.s32 $0x0;
	[tilespmem:$0x19730] =	vst v0  }
0x109: {  	v1 =	vld [tilespmem:s9+$0x164C0]  }
0x10a: {  	v0 =	vld [tilespmem:s9+$0x164D0]  }
0x10b: {  	v2 =	vld [tilespmem:s9+$0x16480]  }
0x10c: {  	v5 =	vimm.f32 $0.0e+00;
	v3 =	vld [tilespmem:s9+$0x16490]  }
0x10d: {  	s25 =	simm.s32 $0x200;
	v6 =	vimm.f32 $0.0e+00;
	v8 =	vimm.f32 $0.0e+00;
	v7 =	vimm.f32 $0.0e+00;
	v4 =	vld [tilespmem:s9+$0x164A0]  }
.LBB2_17:
0x10e: {  	p0 =	sne.s32 s25, $0xC600;
	v9 =	vld [tilespmem:s9+$0x164B0];
	v10 =	vmov v1  }
0x10f: {  	v11 =	vld [tilespmem:s9+$0x164E0];
	v12 =	vmov v0  }
0x110: {  	v13 =	vld [tilespmem:s9+$0x164F0];
	s9 =	sshra.s32 s25, $0x2  }
.Ltmp7:
0x111: {  	v1 =	vld [tilespmem:s9+$0x164C0];
	(pc) =	sbr.rel @p0 .LBB2_17-.Ltmp7, $4  }
0x112: {  	v5 =	vadd.f32 v2, v5;
	v6 =	vadd.f32 v3, v6;
	v0 =	vld [tilespmem:s9+$0x164D0]  }
0x113: {  	v8 =	vadd.f32 v4, v8;
	v2 =	vld [tilespmem:s9+$0x16480];
	v7 =	vadd.f32 v9, v7  }
0x114: {  	v5 =	vadd.f32 v10, v5;
	v6 =	vadd.f32 v12, v6;
	v3 =	vld [tilespmem:s9+$0x16490]  }
0x115: {  	s25 =	sadd.s32 $0x200, s25;
	v8 =	vadd.f32 v11, v8;
	v4 =	vld [tilespmem:s9+$0x164A0];
	v7 =	vadd.f32 v13, v7  }
0x116: {  	v9 =	vld [tilespmem:s9+$0x164B0]  }
0x117: {  	v10 =	vld [tilespmem:s9+$0x164E0]  }
0x118: {  	v11 =	vld [tilespmem:s9+$0x164F0];
	v2 =	vadd.f32 v2, v5  }
0x119: {  	v3 =	vadd.f32 v3, v6  }
0x11a: {  	v4 =	vadd.f32 v4, v8;
	v1 =	vadd.f32 v1, v2  }
0x11b: {  	v60 =	vadd.f32 v9, v7;
	v0 =	vadd.f32 v0, v3  }
0x11c: {  	v61 =	vadd.f32 v10, v4;
	v1 =	vmul.f32 $4.999999890e-03, v1  }
0x11d: {  	v2 =	vadd.f32 v11, v60;
	v0 =	vmul.f32 $4.999999890e-03, v0  }
0x11e: {  	[tilespmem:$0x19740] =	vst v1;
	v62 =	vmul.f32 $4.999999890e-03, v61  }
0x11f: {  	s26 =	sadd.s32 $0x1, s26;
	[tilespmem:$0x19750] =	vst v0;
	v63 =	vmul.f32 $4.999999890e-03, v2  }
0x120: {  	s6 =	sshll.u32 s6, $0x5;
	p0 =	sne.s32 s26, $0x10;
	[tilespmem:$0x19760] =	vst v62  }
.Ltmp8:
0x121: {  	s6 =	sadd.s32 s6, s7;
	[tilespmem:$0x19770] =	vst v63;
	(pc) =	sbr.rel @p0 .LBB2_2-.Ltmp8, $4  }
0x122: {  	[hbm4b:s6+s2] =	stream.linear.scatter [tilespmem:s23], [sflag:$0x3], $0x100, $0x38;
	[tilespmem:$0x19780] =	vst v63  }
0x123: {  	_ =	swait.ge [sflag:s10], $0x100  }
0x124: {  	[sflag:s10] =	ssyncset.done $0x0  }
0x125: {  	[sflag:s10] =	ssyncadd.s32 $0xFFFFFF00  }
0x126: {  	s9 =	rddreg [dreg:$0x4]  }
0x127: {  	s6 =	rddreg [dreg:$0x3];
	s9 =	sadd.s32 $0x1, s9  }
0x128: {  	p0 =	sne.s32 s9, s6  }
.Ltmp9:
0x129: {  	_ = 	snop;
	(pc) =	sbr.rel @p0 .LBB2_1-.Ltmp9, $1  }
0x12a: {  	_ =	sdelay $0x3  }
0x12b: {  	_ =	sfence.sel $0x180000  }
0x12c: {  	[bflag:$0x0] =	sbarrier.arrive $0xFFFF  }
0x12d: {  	_ =	strace $0x90000047  }
0x12e: {  	s0 =	stileid.u32;
	[bflag:$0x2] =	sbarrier.arrive $0xFFFF  }
0x12f: {  	p0 =	sne.s32 s0, $0x0;
	s0 =	rddreg [dreg:$0x1]  }
0x130: {  	s0 =	sadd.s32 @!p0 $0x100000, s0  }
0x131: {  	[sflag:s0] =	ssyncadd.tile.s32 @!p0 $0x1;
	_ =	shalt  }
.Lfunc_end2:
_tile_overlayer_lowered:
.L_overlay_start_2:
0x132: {  	(tag) =	ssettag $0x2  }
0x133: {  	s0 =	rddreg [dreg:$0x0];
	s2 =	stileid.u32  }
0x134: {  	s1 =	rddreg [dreg:$0x1];
	p0 =	sne.s32 s2, $0x0  }
0x135: {  	s3 =	rddreg [dreg:$0x2];
	[bflag:$0x3] =	sbarrier.arrive $0xFFFF;
	s2 =	simm.s32 @!p0 $0x1C03  }
0x136: {  	[timem:s3], [sflag:s2] =	dma.local @!p0 [hbm:s0], s1  }
0x137: {  	s0 =	simm.s32 @!p0 $0x3  }
0x138: {  	_ =	swait.ge @!p0 [sflag:s0], s1  }
0x139: {  	s1 =	ssub.s32 @!p0 $0x0, s1;
	[sflag:s0] =	ssyncset.done @!p0 $0x0  }
0x13a: {  	[sflag:s0] =	ssyncadd.s32 @!p0 s1  }
0x13b: {  	[bflag:$0x3] =	sbarrier.arrive $0xFFFF  }
0x13c: {  	_ =	shalt  }

</sc_bundles>
